<compile_context>
chip_gen: v7x
topology: tpu7x:2x2x1
jax: 0.10.2.dev20260603
libtpu: 0.0.44.dev20260713+nightly
codegen_flags: <defaults>
</compile_context>

<pallas_src>
import functools

import jax
import jax.numpy as jnp
from jax import lax
from jax.experimental import pallas as pl
from jax.experimental.pallas import tpu as pltpu
from jax.experimental.pallas import tpu_sc as plsc

B, N, K = 128, 400, 3
H = 256
L = 2
NDIM = 2
BB = 4

BN = B * N
NC, NS = 2, 16
NW = NC * NS
RPW = BN // NW
C = 64
NCH = RPW // C



def _sc_gather_sum(x_hbm, ce0_hbm, ce1_hbm, ce2_hbm, out_hbm,
                   i0, i1, i2, r0, r1, r2, sem):
    wid = lax.axis_index("s") * NC + lax.axis_index("c")
    base0 = wid * RPW

    def chunk(j, carry):
        base = base0 + j * C
        pltpu.sync_copy(ce0_hbm.at[pl.ds(base, C)], i0)
        pltpu.sync_copy(ce1_hbm.at[pl.ds(base, C)], i1)
        pltpu.sync_copy(ce2_hbm.at[pl.ds(base, C)], i2)
        cp0 = pltpu.async_copy(x_hbm.at[i0], r0, sem)
        cp1 = pltpu.async_copy(x_hbm.at[i1], r1, sem)
        cp2 = pltpu.async_copy(x_hbm.at[i2], r2, sem)
        cp0.wait()
        cp1.wait()
        cp2.wait()

        def row(rr, c2):
            for h in range(H // 16):
                sl = pl.ds(h * 16, 16)
                r0[rr, sl] = r0[rr, sl] + r1[rr, sl] + r2[rr, sl]
            return c2

        lax.fori_loop(0, C, row, 0)
        pltpu.sync_copy(r0, out_hbm.at[pl.ds(base, C)])
        return carry

    lax.fori_loop(0, NCH, chunk, 0)


_gather_call = functools.partial(
    pl.kernel,
    mesh=plsc.VectorSubcoreMesh(core_axis_name="c", subcore_axis_name="s"),
    out_type=jax.ShapeDtypeStruct((BN, H), jnp.float32),
    scratch_types=[
        pltpu.VMEM((C,), jnp.int32),
        pltpu.VMEM((C,), jnp.int32),
        pltpu.VMEM((C,), jnp.int32),
        pltpu.VMEM((C, H), jnp.float32),
        pltpu.VMEM((C, H), jnp.float32),
        pltpu.VMEM((C, H), jnp.float32),
        pltpu.SemaphoreType.DMA,
    ],
)(_sc_gather_sum)



def _elu(v):
    return jnp.where(v > 0, v, jnp.exp(jnp.minimum(v, 0.0)) - 1.0)


def _sigmoid(v):
    return 0.5 + 0.5 * jnp.tanh(0.5 * v)


def _gru(x, sx, vwih_ref, whh_ref, bih, bhh):
    gi = jnp.dot(sx, vwih_ref[...], preferred_element_type=jnp.float32) + bih
    gh = jnp.dot(x, whh_ref[...], preferred_element_type=jnp.float32) + bhh
    r = _sigmoid(gi[:, :H] + gh[:, :H])
    z = _sigmoid(gi[:, H:2 * H] + gh[:, H:2 * H])
    n = jnp.tanh(gi[:, 2 * H:] + r * gh[:, 2 * H:])
    return (1.0 - z) * n + z * x


def _gates_body(x_ref, sx_ref, vwih_ref, whh_ref, bih_ref, bhh_ref, out_ref):
    x = x_ref[...].reshape(BB * N, H)
    sx = sx_ref[...].reshape(BB * N, H)
    xn = _gru(x, sx, vwih_ref, whh_ref, bih_ref[0], bhh_ref[0])
    out_ref[...] = xn.reshape(BB, N, H)


def _final_body(x_ref, sx_ref, vwih_ref, whh_ref, bih_ref, bhh_ref,
                nw1_ref, nb1_ref, nw2_ref, nb2_ref, rw1_ref, rb1_ref,
                rw2_ref, rb2_ref, out_ref):
    x = x_ref[...].reshape(BB * N, H)
    sx = sx_ref[...].reshape(BB * N, H)
    x = _gru(x, sx, vwih_ref, whh_ref, bih_ref[0], bhh_ref[0])
    h1 = _elu(jnp.dot(x, nw1_ref[...], preferred_element_type=jnp.float32)
              + nb1_ref[0])
    h2 = _elu(jnp.dot(h1, nw2_ref[...], preferred_element_type=jnp.float32)
              + nb2_ref[0])
    pooled = jnp.sum(h2.reshape(BB, N, H), axis=1)
    r1 = _elu(jnp.dot(pooled, rw1_ref[...], preferred_element_type=jnp.float32)
              + rb1_ref[0])
    out = jnp.dot(r1, rw2_ref[...], preferred_element_type=jnp.float32) \
        + rb2_ref[0]
    out_ref[...] = out.reshape(BB, 1, NDIM)


def _rep(shape):
    return pl.BlockSpec(shape, lambda b: (0,) * len(shape))


def _tc_gates(x, sx, vwih, whh_t, bih, bhh):
    grid_spec = pl.GridSpec(
        grid=(B // BB,),
        in_specs=[
            pl.BlockSpec((BB, N, H), lambda b: (b, 0, 0)),
            pl.BlockSpec((BB, N, H), lambda b: (b, 0, 0)),
            _rep((H, 3 * H)),
            _rep((H, 3 * H)),
            _rep((1, 3 * H)),
            _rep((1, 3 * H)),
        ],
        out_specs=pl.BlockSpec((BB, N, H), lambda b: (b, 0, 0)),
    )
    return pl.pallas_call(
        _gates_body,
        grid_spec=grid_spec,
        out_shape=jax.ShapeDtypeStruct((B, N, H), jnp.float32),
        compiler_params=pltpu.CompilerParams(
            dimension_semantics=("arbitrary",)),
    )(x, sx, vwih, whh_t, bih, bhh)


def _tc_final(x, sx, vwih, whh_t, bih, bhh, nw1_t, nb1, nw2_t, nb2,
              rw1_t, rb1, rw2_t, rb2):
    grid_spec = pl.GridSpec(
        grid=(B // BB,),
        in_specs=[
            pl.BlockSpec((BB, N, H), lambda b: (b, 0, 0)),
            pl.BlockSpec((BB, N, H), lambda b: (b, 0, 0)),
            _rep((H, 3 * H)),
            _rep((H, 3 * H)),
            _rep((1, 3 * H)),
            _rep((1, 3 * H)),
            _rep((H, H)),
            _rep((1, H)),
            _rep((H, H)),
            _rep((1, H)),
            _rep((H, H)),
            _rep((1, H)),
            _rep((H, NDIM)),
            _rep((1, NDIM)),
        ],
        out_specs=pl.BlockSpec((BB, 1, NDIM), lambda b: (b, 0, 0)),
    )
    return pl.pallas_call(
        _final_body,
        grid_spec=grid_spec,
        out_shape=jax.ShapeDtypeStruct((B, 1, NDIM), jnp.float32),
        compiler_params=pltpu.CompilerParams(
            dimension_semantics=("arbitrary",)),
    )(x, sx, vwih, whh_t, bih, bhh, nw1_t, nb1, nw2_t, nb2,
      rw1_t, rb1, rw2_t, rb2)


@jax.jit
def kernel(node_features, edge_index, weight, w_ih, w_hh, b_ih, b_hh,
           net_w1, net_b1, net_w2, net_b2, ro_w1, ro_b1, ro_w2, ro_b2):
    wih_t = w_ih.T
    whh_t = w_hh.T
    vw = jnp.einsum('lhj,jg->lhg', weight, wih_t)
    nw1_t = net_w1.T
    nw2_t = net_w2.T
    rw1_t = ro_w1.T
    rw2_t = ro_w2.T
    bih = b_ih.reshape(1, 3 * H)
    bhh = b_hh.reshape(1, 3 * H)
    nb1 = net_b1.reshape(1, H)
    nb2 = net_b2.reshape(1, H)
    rb1 = ro_b1.reshape(1, H)
    rb2 = ro_b2.reshape(1, NDIM)

    offs = jnp.arange(B, dtype=jnp.int32)[:, None, None] * N
    ce = (edge_index + offs).reshape(BN, K)
    ce0 = ce[:, 0].reshape(BN)
    ce1 = ce[:, 1].reshape(BN)
    ce2 = ce[:, 2].reshape(BN)

    x0 = node_features.reshape(BN, H)
    sx0 = _gather_call(x0, ce0, ce1, ce2)
    x1 = _tc_gates(node_features, sx0.reshape(B, N, H),
                   vw[0], whh_t, bih, bhh)
    sx1 = _gather_call(x1.reshape(BN, H), ce0, ce1, ce2)
    out = _tc_final(x1, sx1.reshape(B, N, H), vw[1], whh_t, bih, bhh,
                    nw1_t, nb1, nw2_t, nb2, rw1_t, rb1, rw2_t, rb2)
    return out.reshape(B, NDIM)

# --- scband reference (transcript-rebuilt; emitter-appended) ---
"""Pipeline reference for scband-gnnmodel-28080496181511 (READ-ONLY COPY).

The authoritative reference and input builder live on the scoring server;
editing this copy changes nothing except your own understanding.
"""

import jax, jax.numpy as jnp
import numpy as np

B, N, K = 128, 400, 3
H = 256
L = 2
NDIM = 2


def setup_inputs(seed: int = 0) -> dict:
    key = jax.random.key(seed)
    ks = jax.random.split(key, 16)
    s = 0.05
    inp = {}
    inp["node_features"] = jax.random.normal(ks[0], (B, N, H), dtype=jnp.float32)
    inp["edge_index"] = jax.random.randint(ks[1], (B, N, K), 0, N, dtype=jnp.int32)
    # GatedGraphConv weight
    inp["weight"] = jax.random.normal(ks[2], (L, H, H), dtype=jnp.float32) * s
    # GRUCell params (torch layout: [3H, H] for ih and hh, gate order r,z,n)
    inp["w_ih"] = jax.random.normal(ks[3], (3 * H, H), dtype=jnp.float32) * s
    inp["w_hh"] = jax.random.normal(ks[4], (3 * H, H), dtype=jnp.float32) * s
    inp["b_ih"] = jax.random.normal(ks[5], (3 * H,), dtype=jnp.float32) * s
    inp["b_hh"] = jax.random.normal(ks[6], (3 * H,), dtype=jnp.float32) * s
    # GraphPooling net
    inp["net_w1"] = jax.random.normal(ks[7], (H, H), dtype=jnp.float32) * s
    inp["net_b1"] = jax.random.normal(ks[8], (H,), dtype=jnp.float32) * s
    inp["net_w2"] = jax.random.normal(ks[9], (H, H), dtype=jnp.float32) * s
    inp["net_b2"] = jax.random.normal(ks[10], (H,), dtype=jnp.float32) * s
    # readout
    inp["ro_w1"] = jax.random.normal(ks[11], (H, H), dtype=jnp.float32) * s
    inp["ro_b1"] = jax.random.normal(ks[12], (H,), dtype=jnp.float32) * s
    inp["ro_w2"] = jax.random.normal(ks[13], (NDIM, H), dtype=jnp.float32) * s
    inp["ro_b2"] = jax.random.normal(ks[14], (NDIM,), dtype=jnp.float32) * s
    return inp


def _gru_cell(x, h, w_ih, w_hh, b_ih, b_hh):
    gi = x @ w_ih.T + b_ih
    gh = h @ w_hh.T + b_hh
    i_r, i_z, i_n = jnp.split(gi, 3, axis=-1)
    h_r, h_z, h_n = jnp.split(gh, 3, axis=-1)
    r = jax.nn.sigmoid(i_r + h_r)
    z = jax.nn.sigmoid(i_z + h_z)
    n = jnp.tanh(i_n + r * h_n)
    return (1.0 - z) * n + z * h


def reference(node_features, edge_index, weight, w_ih, w_hh, b_ih, b_hh,
              net_w1, net_b1, net_w2, net_b2, ro_w1, ro_b1, ro_w2, ro_b2):
    b, n = edge_index.shape[0], edge_index.shape[1]
    x = node_features.reshape(-1, node_features.shape[-1])
    offs = jnp.arange(b, dtype=edge_index.dtype)[:, None, None] * n
    ce = jnp.where(edge_index > -1, edge_index + offs, -1)
    ce = ce.reshape(-1, ce.shape[-1])
    # GatedGraphConv layers
    for i in range(L):
        m = x @ weight[i]
        padded = jnp.concatenate([m, jnp.zeros((1, H), dtype=m.dtype)], axis=0)
        neigh = padded[ce]            # gather: [B*N, K, H]; -1 hits zero pad row
        m = neigh.sum(axis=1)         # scatter-free neighbor aggregation
        x = _gru_cell(m, x, w_ih, w_hh, b_ih, b_hh)
    x = x.reshape(b, n, H)
    # GraphPooling net
    h1 = jax.nn.elu(x @ net_w1.T + net_b1)
    h2 = jax.nn.elu(h1 @ net_w2.T + net_b2)
    pooled = jnp.sum(h2, axis=-2, keepdims=True)  # aggr='sum'
    r1 = jax.nn.elu(pooled @ ro_w1.T + ro_b1)
    out = r1 @ ro_w2.T + ro_b2
    return out.squeeze(1)

if __name__ == "__main__":
    import jax
    _d = setup_inputs()
    print(jax.jit(kernel)(*tuple(_d.values())))

</pallas_src>

<mosaic_0001>
#map = affine_map<(d0, d1) -> (0, 0)>
#map1 = affine_map<(d0, d1) -> (0)>
module attributes {stable_mosaic.version = 14 : i64} {
  func.func @_sc_gather_sum(%arg0: i32, %arg1: i32, %arg2: memref<51200x256xf32, #tpu.memory_space<hbm>>, %arg3: memref<51200xi32, #tpu.memory_space<hbm>>, %arg4: memref<51200xi32, #tpu.memory_space<hbm>>, %arg5: memref<51200xi32, #tpu.memory_space<hbm>>, %arg6: memref<51200x256xf32, #tpu.memory_space<hbm>>, %arg7: memref<64xi32, #tpu.memory_space<vmem>>, %arg8: memref<64xi32, #tpu.memory_space<vmem>>, %arg9: memref<64xi32, #tpu.memory_space<vmem>>, %arg10: memref<64x256xf32, #tpu.memory_space<vmem>>, %arg11: memref<64x256xf32, #tpu.memory_space<vmem>>, %arg12: memref<64x256xf32, #tpu.memory_space<vmem>>, %arg13: memref<!tpu.dma_semaphore, #tpu.memory_space<semaphore_mem>>) attributes {dimension_semantics = [#tpu.dimension_semantics<core_parallel>, #tpu.dimension_semantics<subcore_parallel>], iteration_bounds = array<i64: 2, 16>, scalar_prefetch = 0 : i64, scratch_operands = 7 : i64, tpu.core_type = #tpu.core_type<sc_vector_subcore>, window_params = [{transform_indices = #map}, {transform_indices = #map1}, {transform_indices = #map1}, {transform_indices = #map1}, {transform_indices = #map}]} {
    %mul3A = arith.constant 2 : i32
    %mul3A_0 = arith.muli %arg1, %mul3A : i32
    %add3A = arith.addi %mul3A_0, %arg0 : i32
    %mul3A_1 = arith.constant 1600 : i32
    %mul3A_2 = arith.muli %add3A, %mul3A_1 : i32
    %scan3A = arith.constant 0 : i32
    %scan3A_3 = arith.constant 0 : i32
    %scan3A_4 = arith.constant 25 : i32
    %scan3A_5 = arith.addi %scan3A_3, %scan3A_4 : i32
    %scan3A_6 = arith.constant 1 : i32
    scf.for %scan3A_8 = %scan3A_3 to %scan3A_5 step %scan3A_6  : i32 {
      %mul3A_9 = arith.constant 64 : i32
      %mul3A_10 = arith.muli %scan3A_8, %mul3A_9 : i32
      %add3A_11 = arith.addi %mul3A_2, %mul3A_10 : i32
      "tpu.region"() ({
        %run_scoped3A = tpu.sem_alloc : memref<!tpu.dma_semaphore, #tpu.memory_space<semaphore_mem>>
        %dma_start3A_34 = tpu.memref_slice %arg3[%add3A_11] : memref<51200xi32, #tpu.memory_space<hbm>> -> memref<64xi32, #tpu.memory_space<hbm>>
        %dma_start3A_35 = tpu.memref_slice %arg3[%add3A_11] : memref<51200xi32, #tpu.memory_space<hbm>> -> memref<64xi32, #tpu.memory_space<hbm>>
        tpu.enqueue_dma source(%dma_start3A_35 : memref<64xi32, #tpu.memory_space<hbm>>) target(%arg7 : memref<64xi32, #tpu.memory_space<vmem>>) target_semaphore(%run_scoped3A : memref<!tpu.dma_semaphore, #tpu.memory_space<semaphore_mem>>)
        %dma_wait3A_36 = tpu.memref_slice %arg3[%add3A_11] : memref<51200xi32, #tpu.memory_space<hbm>> -> memref<64xi32, #tpu.memory_space<hbm>>
        %dma_wait3A_37 = tpu.memref_slice %arg3[%add3A_11] : memref<51200xi32, #tpu.memory_space<hbm>> -> memref<64xi32, #tpu.memory_space<hbm>>
        tpu.wait_dma2 semaphore(%run_scoped3A : memref<!tpu.dma_semaphore, #tpu.memory_space<semaphore_mem>>) src(%dma_wait3A_37 : memref<64xi32, #tpu.memory_space<hbm>>) dst(%arg7 : memref<64xi32, #tpu.memory_space<vmem>>)
        tpu.yield
      }) : () -> ()
      "tpu.region"() ({
        %run_scoped3A = tpu.sem_alloc : memref<!tpu.dma_semaphore, #tpu.memory_space<semaphore_mem>>
        %dma_start3A_34 = tpu.memref_slice %arg4[%add3A_11] : memref<51200xi32, #tpu.memory_space<hbm>> -> memref<64xi32, #tpu.memory_space<hbm>>
        %dma_start3A_35 = tpu.memref_slice %arg4[%add3A_11] : memref<51200xi32, #tpu.memory_space<hbm>> -> memref<64xi32, #tpu.memory_space<hbm>>
        tpu.enqueue_dma source(%dma_start3A_35 : memref<64xi32, #tpu.memory_space<hbm>>) target(%arg8 : memref<64xi32, #tpu.memory_space<vmem>>) target_semaphore(%run_scoped3A : memref<!tpu.dma_semaphore, #tpu.memory_space<semaphore_mem>>)
        %dma_wait3A_36 = tpu.memref_slice %arg4[%add3A_11] : memref<51200xi32, #tpu.memory_space<hbm>> -> memref<64xi32, #tpu.memory_space<hbm>>
        %dma_wait3A_37 = tpu.memref_slice %arg4[%add3A_11] : memref<51200xi32, #tpu.memory_space<hbm>> -> memref<64xi32, #tpu.memory_space<hbm>>
        tpu.wait_dma2 semaphore(%run_scoped3A : memref<!tpu.dma_semaphore, #tpu.memory_space<semaphore_mem>>) src(%dma_wait3A_37 : memref<64xi32, #tpu.memory_space<hbm>>) dst(%arg8 : memref<64xi32, #tpu.memory_space<vmem>>)
        tpu.yield
      }) : () -> ()
      "tpu.region"() ({
        %run_scoped3A = tpu.sem_alloc : memref<!tpu.dma_semaphore, #tpu.memory_space<semaphore_mem>>
        %dma_start3A_34 = tpu.memref_slice %arg5[%add3A_11] : memref<51200xi32, #tpu.memory_space<hbm>> -> memref<64xi32, #tpu.memory_space<hbm>>
        %dma_start3A_35 = tpu.memref_slice %arg5[%add3A_11] : memref<51200xi32, #tpu.memory_space<hbm>> -> memref<64xi32, #tpu.memory_space<hbm>>
        tpu.enqueue_dma source(%dma_start3A_35 : memref<64xi32, #tpu.memory_space<hbm>>) target(%arg9 : memref<64xi32, #tpu.memory_space<vmem>>) target_semaphore(%run_scoped3A : memref<!tpu.dma_semaphore, #tpu.memory_space<semaphore_mem>>)
        %dma_wait3A_36 = tpu.memref_slice %arg5[%add3A_11] : memref<51200xi32, #tpu.memory_space<hbm>> -> memref<64xi32, #tpu.memory_space<hbm>>
        %dma_wait3A_37 = tpu.memref_slice %arg5[%add3A_11] : memref<51200xi32, #tpu.memory_space<hbm>> -> memref<64xi32, #tpu.memory_space<hbm>>
        tpu.wait_dma2 semaphore(%run_scoped3A : memref<!tpu.dma_semaphore, #tpu.memory_space<semaphore_mem>>) src(%dma_wait3A_37 : memref<64xi32, #tpu.memory_space<hbm>>) dst(%arg9 : memref<64xi32, #tpu.memory_space<vmem>>)
        tpu.yield
      }) : () -> ()
      %dma_start3A = arith.constant 0 : i32
      %dma_start3A_12 = arith.constant 0 : i32
      %dma_start3A_13 = tpu.memref_slice %arg2[%dma_start3A, %dma_start3A_12] : memref<51200x256xf32, #tpu.memory_space<hbm>> -> memref<51200x256xf32, #tpu.memory_space<hbm>>
      tpu.enqueue_indirect_dma source(%dma_start3A_13 : memref<51200x256xf32, #tpu.memory_space<hbm>>) target(%arg10 : memref<64x256xf32, #tpu.memory_space<vmem>>) offsets(%arg7 : memref<64xi32, #tpu.memory_space<vmem>>) semaphore(%arg13 : memref<!tpu.dma_semaphore, #tpu.memory_space<semaphore_mem>>)
      %dma_start3A_14 = arith.constant 0 : i32
      %dma_start3A_15 = arith.constant 0 : i32
      %dma_start3A_16 = tpu.memref_slice %arg2[%dma_start3A_14, %dma_start3A_15] : memref<51200x256xf32, #tpu.memory_space<hbm>> -> memref<51200x256xf32, #tpu.memory_space<hbm>>
      tpu.enqueue_indirect_dma source(%dma_start3A_16 : memref<51200x256xf32, #tpu.memory_space<hbm>>) target(%arg11 : memref<64x256xf32, #tpu.memory_space<vmem>>) offsets(%arg8 : memref<64xi32, #tpu.memory_space<vmem>>) semaphore(%arg13 : memref<!tpu.dma_semaphore, #tpu.memory_space<semaphore_mem>>)
      %dma_start3A_17 = arith.constant 0 : i32
      %dma_start3A_18 = arith.constant 0 : i32
      %dma_start3A_19 = tpu.memref_slice %arg2[%dma_start3A_17, %dma_start3A_18] : memref<51200x256xf32, #tpu.memory_space<hbm>> -> memref<51200x256xf32, #tpu.memory_space<hbm>>
      tpu.enqueue_indirect_dma source(%dma_start3A_19 : memref<51200x256xf32, #tpu.memory_space<hbm>>) target(%arg12 : memref<64x256xf32, #tpu.memory_space<vmem>>) offsets(%arg9 : memref<64xi32, #tpu.memory_space<vmem>>) semaphore(%arg13 : memref<!tpu.dma_semaphore, #tpu.memory_space<semaphore_mem>>)
      %dma_wait3A = arith.constant 0 : i32
      %dma_wait3A_20 = arith.constant 0 : i32
      %dma_wait3A_21 = tpu.memref_slice %arg2[%dma_wait3A, %dma_wait3A_20] : memref<51200x256xf32, #tpu.memory_space<hbm>> -> memref<51200x256xf32, #tpu.memory_space<hbm>>
      tpu.wait_indirect_dma semaphore(%arg13 : memref<!tpu.dma_semaphore, #tpu.memory_space<semaphore_mem>>) src(%dma_wait3A_21 : memref<51200x256xf32, #tpu.memory_space<hbm>>) dst(%arg10 : memref<64x256xf32, #tpu.memory_space<vmem>>)
      %dma_wait3A_22 = arith.constant 0 : i32
      %dma_wait3A_23 = arith.constant 0 : i32
      %dma_wait3A_24 = tpu.memref_slice %arg2[%dma_wait3A_22, %dma_wait3A_23] : memref<51200x256xf32, #tpu.memory_space<hbm>> -> memref<51200x256xf32, #tpu.memory_space<hbm>>
      tpu.wait_indirect_dma semaphore(%arg13 : memref<!tpu.dma_semaphore, #tpu.memory_space<semaphore_mem>>) src(%dma_wait3A_24 : memref<51200x256xf32, #tpu.memory_space<hbm>>) dst(%arg11 : memref<64x256xf32, #tpu.memory_space<vmem>>)
      %dma_wait3A_25 = arith.constant 0 : i32
      %dma_wait3A_26 = arith.constant 0 : i32
      %dma_wait3A_27 = tpu.memref_slice %arg2[%dma_wait3A_25, %dma_wait3A_26] : memref<51200x256xf32, #tpu.memory_space<hbm>> -> memref<51200x256xf32, #tpu.memory_space<hbm>>
      tpu.wait_indirect_dma semaphore(%arg13 : memref<!tpu.dma_semaphore, #tpu.memory_space<semaphore_mem>>) src(%dma_wait3A_27 : memref<51200x256xf32, #tpu.memory_space<hbm>>) dst(%arg12 : memref<64x256xf32, #tpu.memory_space<vmem>>)
      %scan3A_28 = arith.constant 0 : i32
      %scan3A_29 = arith.constant 0 : i32
      %scan3A_30 = arith.constant 64 : i32
      %scan3A_31 = arith.addi %scan3A_29, %scan3A_30 : i32
      %scan3A_32 = arith.constant 1 : i32
      scf.for %scan3A_34 = %scan3A_29 to %scan3A_31 step %scan3A_32  : i32 {
        %get3A = arith.index_cast %scan3A_34 : i32 to index
        %get3A_35 = arith.constant 0 : index
        %get3A_36 = tpu.vector_load %arg10[%get3A, %get3A_35] {strides = array<i32>} : memref<64x256xf32, #tpu.memory_space<vmem>>, vector<1x16xf32>,
        %get3A_37 = vector.shape_cast %get3A_36 : vector<1x16xf32> to vector<16xf32>
        %get3A_38 = arith.index_cast %scan3A_34 : i32 to index
        %get3A_39 = arith.constant 0 : index
        %get3A_40 = tpu.vector_load %arg11[%get3A_38, %get3A_39] {strides = array<i32>} : memref<64x256xf32, #tpu.memory_space<vmem>>, vector<1x16xf32>,
        %get3A_41 = vector.shape_cast %get3A_40 : vector<1x16xf32> to vector<16xf32>
        %add3A_42 = arith.addf %get3A_37, %get3A_41 : vector<16xf32>
        %get3A_43 = arith.index_cast %scan3A_34 : i32 to index
        %get3A_44 = arith.constant 0 : index
        %get3A_45 = tpu.vector_load %arg12[%get3A_43, %get3A_44] {strides = array<i32>} : memref<64x256xf32, #tpu.memory_space<vmem>>, vector<1x16xf32>,
        %get3A_46 = vector.shape_cast %get3A_45 : vector<1x16xf32> to vector<16xf32>
        %add3A_47 = arith.addf %add3A_42, %get3A_46 : vector<16xf32>
        %swap3A = arith.index_cast %scan3A_34 : i32 to index
        %swap3A_48 = arith.constant 0 : index
        %swap3A_49 = tpu.vector_load %arg10[%swap3A, %swap3A_48] {strides = array<i32>} : memref<64x256xf32, #tpu.memory_space<vmem>>, vector<1x16xf32>,
        %swap3A_50 = vector.shape_cast %swap3A_49 : vector<1x16xf32> to vector<16xf32>
        %swap3A_51 = vector.shape_cast %add3A_47 : vector<16xf32> to vector<1x16xf32>
        tpu.vector_store %arg10[%swap3A, %swap3A_48], %swap3A_51 {strides = array<i32>} : memref<64x256xf32, #tpu.memory_space<vmem>>, vector<1x16xf32>,
        %get3A_52 = arith.index_cast %scan3A_34 : i32 to index
        %get3A_53 = arith.constant 16 : index
        %get3A_54 = tpu.vector_load %arg10[%get3A_52, %get3A_53] {strides = array<i32>} : memref<64x256xf32, #tpu.memory_space<vmem>>, vector<1x16xf32>,
        %get3A_55 = vector.shape_cast %get3A_54 : vector<1x16xf32> to vector<16xf32>
        %get3A_56 = arith.index_cast %scan3A_34 : i32 to index
        %get3A_57 = arith.constant 16 : index
        %get3A_58 = tpu.vector_load %arg11[%get3A_56, %get3A_57] {strides = array<i32>} : memref<64x256xf32, #tpu.memory_space<vmem>>, vector<1x16xf32>,
        %get3A_59 = vector.shape_cast %get3A_58 : vector<1x16xf32> to vector<16xf32>
        %add3A_60 = arith.addf %get3A_55, %get3A_59 : vector<16xf32>
        %get3A_61 = arith.index_cast %scan3A_34 : i32 to index
        %get3A_62 = arith.constant 16 : index
        %get3A_63 = tpu.vector_load %arg12[%get3A_61, %get3A_62] {strides = array<i32>} : memref<64x256xf32, #tpu.memory_space<vmem>>, vector<1x16xf32>,
        %get3A_64 = vector.shape_cast %get3A_63 : vector<1x16xf32> to vector<16xf32>
        %add3A_65 = arith.addf %add3A_60, %get3A_64 : vector<16xf32>
        %swap3A_66 = arith.index_cast %scan3A_34 : i32 to index
        %swap3A_67 = arith.constant 16 : index
        %swap3A_68 = tpu.vector_load %arg10[%swap3A_66, %swap3A_67] {strides = array<i32>} : memref<64x256xf32, #tpu.memory_space<vmem>>, vector<1x16xf32>,
        %swap3A_69 = vector.shape_cast %swap3A_68 : vector<1x16xf32> to vector<16xf32>
        %swap3A_70 = vector.shape_cast %add3A_65 : vector<16xf32> to vector<1x16xf32>
        tpu.vector_store %arg10[%swap3A_66, %swap3A_67], %swap3A_70 {strides = array<i32>} : memref<64x256xf32, #tpu.memory_space<vmem>>, vector<1x16xf32>,
        %get3A_71 = arith.index_cast %scan3A_34 : i32 to index
        %get3A_72 = arith.constant 32 : index
        %get3A_73 = tpu.vector_load %arg10[%get3A_71, %get3A_72] {strides = array<i32>} : memref<64x256xf32, #tpu.memory_space<vmem>>, vector<1x16xf32>,
        %get3A_74 = vector.shape_cast %get3A_73 : vector<1x16xf32> to vector<16xf32>
        %get3A_75 = arith.index_cast %scan3A_34 : i32 to index
        %get3A_76 = arith.constant 32 : index
        %get3A_77 = tpu.vector_load %arg11[%get3A_75, %get3A_76] {strides = array<i32>} : memref<64x256xf32, #tpu.memory_space<vmem>>, vector<1x16xf32>,
        %get3A_78 = vector.shape_cast %get3A_77 : vector<1x16xf32> to vector<16xf32>
        %add3A_79 = arith.addf %get3A_74, %get3A_78 : vector<16xf32>
        %get3A_80 = arith.index_cast %scan3A_34 : i32 to index
        %get3A_81 = arith.constant 32 : index
        %get3A_82 = tpu.vector_load %arg12[%get3A_80, %get3A_81] {strides = array<i32>} : memref<64x256xf32, #tpu.memory_space<vmem>>, vector<1x16xf32>,
        %get3A_83 = vector.shape_cast %get3A_82 : vector<1x16xf32> to vector<16xf32>
        %add3A_84 = arith.addf %add3A_79, %get3A_83 : vector<16xf32>
        %swap3A_85 = arith.index_cast %scan3A_34 : i32 to index
        %swap3A_86 = arith.constant 32 : index
        %swap3A_87 = tpu.vector_load %arg10[%swap3A_85, %swap3A_86] {strides = array<i32>} : memref<64x256xf32, #tpu.memory_space<vmem>>, vector<1x16xf32>,
        %swap3A_88 = vector.shape_cast %swap3A_87 : vector<1x16xf32> to vector<16xf32>
        %swap3A_89 = vector.shape_cast %add3A_84 : vector<16xf32> to vector<1x16xf32>
        tpu.vector_store %arg10[%swap3A_85, %swap3A_86], %swap3A_89 {strides = array<i32>} : memref<64x256xf32, #tpu.memory_space<vmem>>, vector<1x16xf32>,
        %get3A_90 = arith.index_cast %scan3A_34 : i32 to index
        %get3A_91 = arith.constant 48 : index
        %get3A_92 = tpu.vector_load %arg10[%get3A_90, %get3A_91] {strides = array<i32>} : memref<64x256xf32, #tpu.memory_space<vmem>>, vector<1x16xf32>,
        %get3A_93 = vector.shape_cast %get3A_92 : vector<1x16xf32> to vector<16xf32>
        %get3A_94 = arith.index_cast %scan3A_34 : i32 to index
        %get3A_95 = arith.constant 48 : index
        %get3A_96 = tpu.vector_load %arg11[%get3A_94, %get3A_95] {strides = array<i32>} : memref<64x256xf32, #tpu.memory_space<vmem>>, vector<1x16xf32>,
        %get3A_97 = vector.shape_cast %get3A_96 : vector<1x16xf32> to vector<16xf32>
        %add3A_98 = arith.addf %get3A_93, %get3A_97 : vector<16xf32>
        %get3A_99 = arith.index_cast %scan3A_34 : i32 to index
        %get3A_100 = arith.constant 48 : index
        %get3A_101 = tpu.vector_load %arg12[%get3A_99, %get3A_100] {strides = array<i32>} : memref<64x256xf32, #tpu.memory_space<vmem>>, vector<1x16xf32>,
        %get3A_102 = vector.shape_cast %get3A_101 : vector<1x16xf32> to vector<16xf32>
        %add3A_103 = arith.addf %add3A_98, %get3A_102 : vector<16xf32>
        %swap3A_104 = arith.index_cast %scan3A_34 : i32 to index
        %swap3A_105 = arith.constant 48 : index
        %swap3A_106 = tpu.vector_load %arg10[%swap3A_104, %swap3A_105] {strides = array<i32>} : memref<64x256xf32, #tpu.memory_space<vmem>>, vector<1x16xf32>,
        %swap3A_107 = vector.shape_cast %swap3A_106 : vector<1x16xf32> to vector<16xf32>
        %swap3A_108 = vector.shape_cast %add3A_103 : vector<16xf32> to vector<1x16xf32>
        tpu.vector_store %arg10[%swap3A_104, %swap3A_105], %swap3A_108 {strides = array<i32>} : memref<64x256xf32, #tpu.memory_space<vmem>>, vector<1x16xf32>,
        %get3A_109 = arith.index_cast %scan3A_34 : i32 to index
        %get3A_110 = arith.constant 64 : index
        %get3A_111 = tpu.vector_load %arg10[%get3A_109, %get3A_110] {strides = array<i32>} : memref<64x256xf32, #tpu.memory_space<vmem>>, vector<1x16xf32>,
        %get3A_112 = vector.shape_cast %get3A_111 : vector<1x16xf32> to vector<16xf32>
        %get3A_113 = arith.index_cast %scan3A_34 : i32 to index
        %get3A_114 = arith.constant 64 : index
        %get3A_115 = tpu.vector_load %arg11[%get3A_113, %get3A_114] {strides = array<i32>} : memref<64x256xf32, #tpu.memory_space<vmem>>, vector<1x16xf32>,
        %get3A_116 = vector.shape_cast %get3A_115 : vector<1x16xf32> to vector<16xf32>
        %add3A_117 = arith.addf %get3A_112, %get3A_116 : vector<16xf32>
        %get3A_118 = arith.index_cast %scan3A_34 : i32 to index
        %get3A_119 = arith.constant 64 : index
        %get3A_120 = tpu.vector_load %arg12[%get3A_118, %get3A_119] {strides = array<i32>} : memref<64x256xf32, #tpu.memory_space<vmem>>, vector<1x16xf32>,
        %get3A_121 = vector.shape_cast %get3A_120 : vector<1x16xf32> to vector<16xf32>
        %add3A_122 = arith.addf %add3A_117, %get3A_121 : vector<16xf32>
        %swap3A_123 = arith.index_cast %scan3A_34 : i32 to index
        %swap3A_124 = arith.constant 64 : index
        %swap3A_125 = tpu.vector_load %arg10[%swap3A_123, %swap3A_124] {strides = array<i32>} : memref<64x256xf32, #tpu.memory_space<vmem>>, vector<1x16xf32>,
        %swap3A_126 = vector.shape_cast %swap3A_125 : vector<1x16xf32> to vector<16xf32>
        %swap3A_127 = vector.shape_cast %add3A_122 : vector<16xf32> to vector<1x16xf32>
        tpu.vector_store %arg10[%swap3A_123, %swap3A_124], %swap3A_127 {strides = array<i32>} : memref<64x256xf32, #tpu.memory_space<vmem>>, vector<1x16xf32>,
        %get3A_128 = arith.index_cast %scan3A_34 : i32 to index
        %get3A_129 = arith.constant 80 : index
        %get3A_130 = tpu.vector_load %arg10[%get3A_128, %get3A_129] {strides = array<i32>} : memref<64x256xf32, #tpu.memory_space<vmem>>, vector<1x16xf32>,
        %get3A_131 = vector.shape_cast %get3A_130 : vector<1x16xf32> to vector<16xf32>
        %get3A_132 = arith.index_cast %scan3A_34 : i32 to index
        %get3A_133 = arith.constant 80 : index
        %get3A_134 = tpu.vector_load %arg11[%get3A_132, %get3A_133] {strides = array<i32>} : memref<64x256xf32, #tpu.memory_space<vmem>>, vector<1x16xf32>,
        %get3A_135 = vector.shape_cast %get3A_134 : vector<1x16xf32> to vector<16xf32>
        %add3A_136 = arith.addf %get3A_131, %get3A_135 : vector<16xf32>
        %get3A_137 = arith.index_cast %scan3A_34 : i32 to index
        %get3A_138 = arith.constant 80 : index
        %get3A_139 = tpu.vector_load %arg12[%get3A_137, %get3A_138] {strides = array<i32>} : memref<64x256xf32, #tpu.memory_space<vmem>>, vector<1x16xf32>,
        %get3A_140 = vector.shape_cast %get3A_139 : vector<1x16xf32> to vector<16xf32>
        %add3A_141 = arith.addf %add3A_136, %get3A_140 : vector<16xf32>
        %swap3A_142 = arith.index_cast %scan3A_34 : i32 to index
        %swap3A_143 = arith.constant 80 : index
        %swap3A_144 = tpu.vector_load %arg10[%swap3A_142, %swap3A_143] {strides = array<i32>} : memref<64x256xf32, #tpu.memory_space<vmem>>, vector<1x16xf32>,
        %swap3A_145 = vector.shape_cast %swap3A_144 : vector<1x16xf32> to vector<16xf32>
        %swap3A_146 = vector.shape_cast %add3A_141 : vector<16xf32> to vector<1x16xf32>
        tpu.vector_store %arg10[%swap3A_142, %swap3A_143], %swap3A_146 {strides = array<i32>} : memref<64x256xf32, #tpu.memory_space<vmem>>, vector<1x16xf32>,
        %get3A_147 = arith.index_cast %scan3A_34 : i32 to index
        %get3A_148 = arith.constant 96 : index
        %get3A_149 = tpu.vector_load %arg10[%get3A_147, %get3A_148] {strides = array<i32>} : memref<64x256xf32, #tpu.memory_space<vmem>>, vector<1x16xf32>,
        %get3A_150 = vector.shape_cast %get3A_149 : vector<1x16xf32> to vector<16xf32>
        %get3A_151 = arith.index_cast %scan3A_34 : i32 to index
        %get3A_152 = arith.constant 96 : index
        %get3A_153 = tpu.vector_load %arg11[%get3A_151, %get3A_152] {strides = array<i32>} : memref<64x256xf32, #tpu.memory_space<vmem>>, vector<1x16xf32>,
        %get3A_154 = vector.shape_cast %get3A_153 : vector<1x16xf32> to vector<16xf32>
        %add3A_155 = arith.addf %get3A_150, %get3A_154 : vector<16xf32>
        %get3A_156 = arith.index_cast %scan3A_34 : i32 to index
        %get3A_157 = arith.constant 96 : index
        %get3A_158 = tpu.vector_load %arg12[%get3A_156, %get3A_157] {strides = array<i32>} : memref<64x256xf32, #tpu.memory_space<vmem>>, vector<1x16xf32>,
        %get3A_159 = vector.shape_cast %get3A_158 : vector<1x16xf32> to vector<16xf32>
        %add3A_160 = arith.addf %add3A_155, %get3A_159 : vector<16xf32>
        %swap3A_161 = arith.index_cast %scan3A_34 : i32 to index
        %swap3A_162 = arith.constant 96 : index
        %swap3A_163 = tpu.vector_load %arg10[%swap3A_161, %swap3A_162] {strides = array<i32>} : memref<64x256xf32, #tpu.memory_space<vmem>>, vector<1x16xf32>,
        %swap3A_164 = vector.shape_cast %swap3A_163 : vector<1x16xf32> to vector<16xf32>
        %swap3A_165 = vector.shape_cast %add3A_160 : vector<16xf32> to vector<1x16xf32>
        tpu.vector_store %arg10[%swap3A_161, %swap3A_162], %swap3A_165 {strides = array<i32>} : memref<64x256xf32, #tpu.memory_space<vmem>>, vector<1x16xf32>,
        %get3A_166 = arith.index_cast %scan3A_34 : i32 to index
        %get3A_167 = arith.constant 112 : index
        %get3A_168 = tpu.vector_load %arg10[%get3A_166, %get3A_167] {strides = array<i32>} : memref<64x256xf32, #tpu.memory_space<vmem>>, vector<1x16xf32>,
        %get3A_169 = vector.shape_cast %get3A_168 : vector<1x16xf32> to vector<16xf32>
        %get3A_170 = arith.index_cast %scan3A_34 : i32 to index
        %get3A_171 = arith.constant 112 : index
        %get3A_172 = tpu.vector_load %arg11[%get3A_170, %get3A_171] {strides = array<i32>} : memref<64x256xf32, #tpu.memory_space<vmem>>, vector<1x16xf32>,
        %get3A_173 = vector.shape_cast %get3A_172 : vector<1x16xf32> to vector<16xf32>
        %add3A_174 = arith.addf %get3A_169, %get3A_173 : vector<16xf32>
        %get3A_175 = arith.index_cast %scan3A_34 : i32 to index
        %get3A_176 = arith.constant 112 : index
        %get3A_177 = tpu.vector_load %arg12[%get3A_175, %get3A_176] {strides = array<i32>} : memref<64x256xf32, #tpu.memory_space<vmem>>, vector<1x16xf32>,
        %get3A_178 = vector.shape_cast %get3A_177 : vector<1x16xf32> to vector<16xf32>
        %add3A_179 = arith.addf %add3A_174, %get3A_178 : vector<16xf32>
        %swap3A_180 = arith.index_cast %scan3A_34 : i32 to index
        %swap3A_181 = arith.constant 112 : index
        %swap3A_182 = tpu.vector_load %arg10[%swap3A_180, %swap3A_181] {strides = array<i32>} : memref<64x256xf32, #tpu.memory_space<vmem>>, vector<1x16xf32>,
        %swap3A_183 = vector.shape_cast %swap3A_182 : vector<1x16xf32> to vector<16xf32>
        %swap3A_184 = vector.shape_cast %add3A_179 : vector<16xf32> to vector<1x16xf32>
        tpu.vector_store %arg10[%swap3A_180, %swap3A_181], %swap3A_184 {strides = array<i32>} : memref<64x256xf32, #tpu.memory_space<vmem>>, vector<1x16xf32>,
        %get3A_185 = arith.index_cast %scan3A_34 : i32 to index
        %get3A_186 = arith.constant 128 : index
        %get3A_187 = tpu.vector_load %arg10[%get3A_185, %get3A_186] {strides = array<i32>} : memref<64x256xf32, #tpu.memory_space<vmem>>, vector<1x16xf32>,
        %get3A_188 = vector.shape_cast %get3A_187 : vector<1x16xf32> to vector<16xf32>
        %get3A_189 = arith.index_cast %scan3A_34 : i32 to index
        %get3A_190 = arith.constant 128 : index
        %get3A_191 = tpu.vector_load %arg11[%get3A_189, %get3A_190] {strides = array<i32>} : memref<64x256xf32, #tpu.memory_space<vmem>>, vector<1x16xf32>,
        %get3A_192 = vector.shape_cast %get3A_191 : vector<1x16xf32> to vector<16xf32>
        %add3A_193 = arith.addf %get3A_188, %get3A_192 : vector<16xf32>
        %get3A_194 = arith.index_cast %scan3A_34 : i32 to index
        %get3A_195 = arith.constant 128 : index
        %get3A_196 = tpu.vector_load %arg12[%get3A_194, %get3A_195] {strides = array<i32>} : memref<64x256xf32, #tpu.memory_space<vmem>>, vector<1x16xf32>,
        %get3A_197 = vector.shape_cast %get3A_196 : vector<1x16xf32> to vector<16xf32>
        %add3A_198 = arith.addf %add3A_193, %get3A_197 : vector<16xf32>
        %swap3A_199 = arith.index_cast %scan3A_34 : i32 to index
        %swap3A_200 = arith.constant 128 : index
        %swap3A_201 = tpu.vector_load %arg10[%swap3A_199, %swap3A_200] {strides = array<i32>} : memref<64x256xf32, #tpu.memory_space<vmem>>, vector<1x16xf32>,
        %swap3A_202 = vector.shape_cast %swap3A_201 : vector<1x16xf32> to vector<16xf32>
        %swap3A_203 = vector.shape_cast %add3A_198 : vector<16xf32> to vector<1x16xf32>
        tpu.vector_store %arg10[%swap3A_199, %swap3A_200], %swap3A_203 {strides = array<i32>} : memref<64x256xf32, #tpu.memory_space<vmem>>, vector<1x16xf32>,
        %get3A_204 = arith.index_cast %scan3A_34 : i32 to index
        %get3A_205 = arith.constant 144 : index
        %get3A_206 = tpu.vector_load %arg10[%get3A_204, %get3A_205] {strides = array<i32>} : memref<64x256xf32, #tpu.memory_space<vmem>>, vector<1x16xf32>,
        %get3A_207 = vector.shape_cast %get3A_206 : vector<1x16xf32> to vector<16xf32>
        %get3A_208 = arith.index_cast %scan3A_34 : i32 to index
        %get3A_209 = arith.constant 144 : index
        %get3A_210 = tpu.vector_load %arg11[%get3A_208, %get3A_209] {strides = array<i32>} : memref<64x256xf32, #tpu.memory_space<vmem>>, vector<1x16xf32>,
        %get3A_211 = vector.shape_cast %get3A_210 : vector<1x16xf32> to vector<16xf32>
        %add3A_212 = arith.addf %get3A_207, %get3A_211 : vector<16xf32>
        %get3A_213 = arith.index_cast %scan3A_34 : i32 to index
        %get3A_214 = arith.constant 144 : index
        %get3A_215 = tpu.vector_load %arg12[%get3A_213, %get3A_214] {strides = array<i32>} : memref<64x256xf32, #tpu.memory_space<vmem>>, vector<1x16xf32>,
        %get3A_216 = vector.shape_cast %get3A_215 : vector<1x16xf32> to vector<16xf32>
        %add3A_217 = arith.addf %add3A_212, %get3A_216 : vector<16xf32>
        %swap3A_218 = arith.index_cast %scan3A_34 : i32 to index
        %swap3A_219 = arith.constant 144 : index
        %swap3A_220 = tpu.vector_load %arg10[%swap3A_218, %swap3A_219] {strides = array<i32>} : memref<64x256xf32, #tpu.memory_space<vmem>>, vector<1x16xf32>,
        %swap3A_221 = vector.shape_cast %swap3A_220 : vector<1x16xf32> to vector<16xf32>
        %swap3A_222 = vector.shape_cast %add3A_217 : vector<16xf32> to vector<1x16xf32>
        tpu.vector_store %arg10[%swap3A_218, %swap3A_219], %swap3A_222 {strides = array<i32>} : memref<64x256xf32, #tpu.memory_space<vmem>>, vector<1x16xf32>,
        %get3A_223 = arith.index_cast %scan3A_34 : i32 to index
        %get3A_224 = arith.constant 160 : index
        %get3A_225 = tpu.vector_load %arg10[%get3A_223, %get3A_224] {strides = array<i32>} : memref<64x256xf32, #tpu.memory_space<vmem>>, vector<1x16xf32>,
        %get3A_226 = vector.shape_cast %get3A_225 : vector<1x16xf32> to vector<16xf32>
        %get3A_227 = arith.index_cast %scan3A_34 : i32 to index
        %get3A_228 = arith.constant 160 : index
        %get3A_229 = tpu.vector_load %arg11[%get3A_227, %get3A_228] {strides = array<i32>} : memref<64x256xf32, #tpu.memory_space<vmem>>, vector<1x16xf32>,
        %get3A_230 = vector.shape_cast %get3A_229 : vector<1x16xf32> to vector<16xf32>
        %add3A_231 = arith.addf %get3A_226, %get3A_230 : vector<16xf32>
        %get3A_232 = arith.index_cast %scan3A_34 : i32 to index
        %get3A_233 = arith.constant 160 : index
        %get3A_234 = tpu.vector_load %arg12[%get3A_232, %get3A_233] {strides = array<i32>} : memref<64x256xf32, #tpu.memory_space<vmem>>, vector<1x16xf32>,
        %get3A_235 = vector.shape_cast %get3A_234 : vector<1x16xf32> to vector<16xf32>
        %add3A_236 = arith.addf %add3A_231, %get3A_235 : vector<16xf32>
        %swap3A_237 = arith.index_cast %scan3A_34 : i32 to index
        %swap3A_238 = arith.constant 160 : index
        %swap3A_239 = tpu.vector_load %arg10[%swap3A_237, %swap3A_238] {strides = array<i32>} : memref<64x256xf32, #tpu.memory_space<vmem>>, vector<1x16xf32>,
        %swap3A_240 = vector.shape_cast %swap3A_239 : vector<1x16xf32> to vector<16xf32>
        %swap3A_241 = vector.shape_cast %add3A_236 : vector<16xf32> to vector<1x16xf32>
        tpu.vector_store %arg10[%swap3A_237, %swap3A_238], %swap3A_241 {strides = array<i32>} : memref<64x256xf32, #tpu.memory_space<vmem>>, vector<1x16xf32>,
        %get3A_242 = arith.index_cast %scan3A_34 : i32 to index
        %get3A_243 = arith.constant 176 : index
        %get3A_244 = tpu.vector_load %arg10[%get3A_242, %get3A_243] {strides = array<i32>} : memref<64x256xf32, #tpu.memory_space<vmem>>, vector<1x16xf32>,
        %get3A_245 = vector.shape_cast %get3A_244 : vector<1x16xf32> to vector<16xf32>
        %get3A_246 = arith.index_cast %scan3A_34 : i32 to index
        %get3A_247 = arith.constant 176 : index
        %get3A_248 = tpu.vector_load %arg11[%get3A_246, %get3A_247] {strides = array<i32>} : memref<64x256xf32, #tpu.memory_space<vmem>>, vector<1x16xf32>,
        %get3A_249 = vector.shape_cast %get3A_248 : vector<1x16xf32> to vector<16xf32>
        %add3A_250 = arith.addf %get3A_245, %get3A_249 : vector<16xf32>
        %get3A_251 = arith.index_cast %scan3A_34 : i32 to index
        %get3A_252 = arith.constant 176 : index
        %get3A_253 = tpu.vector_load %arg12[%get3A_251, %get3A_252] {strides = array<i32>} : memref<64x256xf32, #tpu.memory_space<vmem>>, vector<1x16xf32>,
        %get3A_254 = vector.shape_cast %get3A_253 : vector<1x16xf32> to vector<16xf32>
        %add3A_255 = arith.addf %add3A_250, %get3A_254 : vector<16xf32>
        %swap3A_256 = arith.index_cast %scan3A_34 : i32 to index
        %swap3A_257 = arith.constant 176 : index
        %swap3A_258 = tpu.vector_load %arg10[%swap3A_256, %swap3A_257] {strides = array<i32>} : memref<64x256xf32, #tpu.memory_space<vmem>>, vector<1x16xf32>,
        %swap3A_259 = vector.shape_cast %swap3A_258 : vector<1x16xf32> to vector<16xf32>
        %swap3A_260 = vector.shape_cast %add3A_255 : vector<16xf32> to vector<1x16xf32>
        tpu.vector_store %arg10[%swap3A_256, %swap3A_257], %swap3A_260 {strides = array<i32>} : memref<64x256xf32, #tpu.memory_space<vmem>>, vector<1x16xf32>,
        %get3A_261 = arith.index_cast %scan3A_34 : i32 to index
        %get3A_262 = arith.constant 192 : index
        %get3A_263 = tpu.vector_load %arg10[%get3A_261, %get3A_262] {strides = array<i32>} : memref<64x256xf32, #tpu.memory_space<vmem>>, vector<1x16xf32>,
        %get3A_264 = vector.shape_cast %get3A_263 : vector<1x16xf32> to vector<16xf32>
        %get3A_265 = arith.index_cast %scan3A_34 : i32 to index
        %get3A_266 = arith.constant 192 : index
        %get3A_267 = tpu.vector_load %arg11[%get3A_265, %get3A_266] {strides = array<i32>} : memref<64x256xf32, #tpu.memory_space<vmem>>, vector<1x16xf32>,
        %get3A_268 = vector.shape_cast %get3A_267 : vector<1x16xf32> to vector<16xf32>
        %add3A_269 = arith.addf %get3A_264, %get3A_268 : vector<16xf32>
        %get3A_270 = arith.index_cast %scan3A_34 : i32 to index
        %get3A_271 = arith.constant 192 : index
        %get3A_272 = tpu.vector_load %arg12[%get3A_270, %get3A_271] {strides = array<i32>} : memref<64x256xf32, #tpu.memory_space<vmem>>, vector<1x16xf32>,
        %get3A_273 = vector.shape_cast %get3A_272 : vector<1x16xf32> to vector<16xf32>
        %add3A_274 = arith.addf %add3A_269, %get3A_273 : vector<16xf32>
        %swap3A_275 = arith.index_cast %scan3A_34 : i32 to index
        %swap3A_276 = arith.constant 192 : index
        %swap3A_277 = tpu.vector_load %arg10[%swap3A_275, %swap3A_276] {strides = array<i32>} : memref<64x256xf32, #tpu.memory_space<vmem>>, vector<1x16xf32>,
        %swap3A_278 = vector.shape_cast %swap3A_277 : vector<1x16xf32> to vector<16xf32>
        %swap3A_279 = vector.shape_cast %add3A_274 : vector<16xf32> to vector<1x16xf32>
        tpu.vector_store %arg10[%swap3A_275, %swap3A_276], %swap3A_279 {strides = array<i32>} : memref<64x256xf32, #tpu.memory_space<vmem>>, vector<1x16xf32>,
        %get3A_280 = arith.index_cast %scan3A_34 : i32 to index
        %get3A_281 = arith.constant 208 : index
        %get3A_282 = tpu.vector_load %arg10[%get3A_280, %get3A_281] {strides = array<i32>} : memref<64x256xf32, #tpu.memory_space<vmem>>, vector<1x16xf32>,
        %get3A_283 = vector.shape_cast %get3A_282 : vector<1x16xf32> to vector<16xf32>
        %get3A_284 = arith.index_cast %scan3A_34 : i32 to index
        %get3A_285 = arith.constant 208 : index
        %get3A_286 = tpu.vector_load %arg11[%get3A_284, %get3A_285] {strides = array<i32>} : memref<64x256xf32, #tpu.memory_space<vmem>>, vector<1x16xf32>,
        %get3A_287 = vector.shape_cast %get3A_286 : vector<1x16xf32> to vector<16xf32>
        %add3A_288 = arith.addf %get3A_283, %get3A_287 : vector<16xf32>
        %get3A_289 = arith.index_cast %scan3A_34 : i32 to index
        %get3A_290 = arith.constant 208 : index
        %get3A_291 = tpu.vector_load %arg12[%get3A_289, %get3A_290] {strides = array<i32>} : memref<64x256xf32, #tpu.memory_space<vmem>>, vector<1x16xf32>,
        %get3A_292 = vector.shape_cast %get3A_291 : vector<1x16xf32> to vector<16xf32>
        %add3A_293 = arith.addf %add3A_288, %get3A_292 : vector<16xf32>
        %swap3A_294 = arith.index_cast %scan3A_34 : i32 to index
        %swap3A_295 = arith.constant 208 : index
        %swap3A_296 = tpu.vector_load %arg10[%swap3A_294, %swap3A_295] {strides = array<i32>} : memref<64x256xf32, #tpu.memory_space<vmem>>, vector<1x16xf32>,
        %swap3A_297 = vector.shape_cast %swap3A_296 : vector<1x16xf32> to vector<16xf32>
        %swap3A_298 = vector.shape_cast %add3A_293 : vector<16xf32> to vector<1x16xf32>
        tpu.vector_store %arg10[%swap3A_294, %swap3A_295], %swap3A_298 {strides = array<i32>} : memref<64x256xf32, #tpu.memory_space<vmem>>, vector<1x16xf32>,
        %get3A_299 = arith.index_cast %scan3A_34 : i32 to index
        %get3A_300 = arith.constant 224 : index
        %get3A_301 = tpu.vector_load %arg10[%get3A_299, %get3A_300] {strides = array<i32>} : memref<64x256xf32, #tpu.memory_space<vmem>>, vector<1x16xf32>,
        %get3A_302 = vector.shape_cast %get3A_301 : vector<1x16xf32> to vector<16xf32>
        %get3A_303 = arith.index_cast %scan3A_34 : i32 to index
        %get3A_304 = arith.constant 224 : index
        %get3A_305 = tpu.vector_load %arg11[%get3A_303, %get3A_304] {strides = array<i32>} : memref<64x256xf32, #tpu.memory_space<vmem>>, vector<1x16xf32>,
        %get3A_306 = vector.shape_cast %get3A_305 : vector<1x16xf32> to vector<16xf32>
        %add3A_307 = arith.addf %get3A_302, %get3A_306 : vector<16xf32>
        %get3A_308 = arith.index_cast %scan3A_34 : i32 to index
        %get3A_309 = arith.constant 224 : index
        %get3A_310 = tpu.vector_load %arg12[%get3A_308, %get3A_309] {strides = array<i32>} : memref<64x256xf32, #tpu.memory_space<vmem>>, vector<1x16xf32>,
        %get3A_311 = vector.shape_cast %get3A_310 : vector<1x16xf32> to vector<16xf32>
        %add3A_312 = arith.addf %add3A_307, %get3A_311 : vector<16xf32>
        %swap3A_313 = arith.index_cast %scan3A_34 : i32 to index
        %swap3A_314 = arith.constant 224 : index
        %swap3A_315 = tpu.vector_load %arg10[%swap3A_313, %swap3A_314] {strides = array<i32>} : memref<64x256xf32, #tpu.memory_space<vmem>>, vector<1x16xf32>,
        %swap3A_316 = vector.shape_cast %swap3A_315 : vector<1x16xf32> to vector<16xf32>
        %swap3A_317 = vector.shape_cast %add3A_312 : vector<16xf32> to vector<1x16xf32>
        tpu.vector_store %arg10[%swap3A_313, %swap3A_314], %swap3A_317 {strides = array<i32>} : memref<64x256xf32, #tpu.memory_space<vmem>>, vector<1x16xf32>,
        %get3A_318 = arith.index_cast %scan3A_34 : i32 to index
        %get3A_319 = arith.constant 240 : index
        %get3A_320 = tpu.vector_load %arg10[%get3A_318, %get3A_319] {strides = array<i32>} : memref<64x256xf32, #tpu.memory_space<vmem>>, vector<1x16xf32>,
        %get3A_321 = vector.shape_cast %get3A_320 : vector<1x16xf32> to vector<16xf32>
        %get3A_322 = arith.index_cast %scan3A_34 : i32 to index
        %get3A_323 = arith.constant 240 : index
        %get3A_324 = tpu.vector_load %arg11[%get3A_322, %get3A_323] {strides = array<i32>} : memref<64x256xf32, #tpu.memory_space<vmem>>, vector<1x16xf32>,
        %get3A_325 = vector.shape_cast %get3A_324 : vector<1x16xf32> to vector<16xf32>
        %add3A_326 = arith.addf %get3A_321, %get3A_325 : vector<16xf32>
        %get3A_327 = arith.index_cast %scan3A_34 : i32 to index
        %get3A_328 = arith.constant 240 : index
        %get3A_329 = tpu.vector_load %arg12[%get3A_327, %get3A_328] {strides = array<i32>} : memref<64x256xf32, #tpu.memory_space<vmem>>, vector<1x16xf32>,
        %get3A_330 = vector.shape_cast %get3A_329 : vector<1x16xf32> to vector<16xf32>
        %add3A_331 = arith.addf %add3A_326, %get3A_330 : vector<16xf32>
        %swap3A_332 = arith.index_cast %scan3A_34 : i32 to index
        %swap3A_333 = arith.constant 240 : index
        %swap3A_334 = tpu.vector_load %arg10[%swap3A_332, %swap3A_333] {strides = array<i32>} : memref<64x256xf32, #tpu.memory_space<vmem>>, vector<1x16xf32>,
        %swap3A_335 = vector.shape_cast %swap3A_334 : vector<1x16xf32> to vector<16xf32>
        %swap3A_336 = vector.shape_cast %add3A_331 : vector<16xf32> to vector<1x16xf32>
        tpu.vector_store %arg10[%swap3A_332, %swap3A_333], %swap3A_336 {strides = array<i32>} : memref<64x256xf32, #tpu.memory_space<vmem>>, vector<1x16xf32>,
      }
      %scan3A_33 = arith.constant 64 : i32
      "tpu.region"() ({
        %run_scoped3A = tpu.sem_alloc : memref<!tpu.dma_semaphore, #tpu.memory_space<semaphore_mem>>
        %dma_start3A_34 = arith.constant 0 : i32
        %dma_start3A_35 = tpu.memref_slice %arg6[%add3A_11, %dma_start3A_34] : memref<51200x256xf32, #tpu.memory_space<hbm>> -> memref<64x256xf32, #tpu.memory_space<hbm>>
        %dma_start3A_36 = arith.constant 0 : i32
        %dma_start3A_37 = tpu.memref_slice %arg6[%add3A_11, %dma_start3A_36] : memref<51200x256xf32, #tpu.memory_space<hbm>> -> memref<64x256xf32, #tpu.memory_space<hbm>>
        tpu.enqueue_dma source(%arg10 : memref<64x256xf32, #tpu.memory_space<vmem>>) target(%dma_start3A_37 : memref<64x256xf32, #tpu.memory_space<hbm>>) target_semaphore(%run_scoped3A : memref<!tpu.dma_semaphore, #tpu.memory_space<semaphore_mem>>)
        %dma_wait3A_38 = arith.constant 0 : i32
        %dma_wait3A_39 = tpu.memref_slice %arg6[%add3A_11, %dma_wait3A_38] : memref<51200x256xf32, #tpu.memory_space<hbm>> -> memref<64x256xf32, #tpu.memory_space<hbm>>
        %dma_wait3A_40 = arith.constant 0 : i32
        %dma_wait3A_41 = tpu.memref_slice %arg6[%add3A_11, %dma_wait3A_40] : memref<51200x256xf32, #tpu.memory_space<hbm>> -> memref<64x256xf32, #tpu.memory_space<hbm>>
        tpu.wait_dma2 semaphore(%run_scoped3A : memref<!tpu.dma_semaphore, #tpu.memory_space<semaphore_mem>>) src(%arg10 : memref<64x256xf32, #tpu.memory_space<vmem>>) dst(%dma_wait3A_41 : memref<64x256xf32, #tpu.memory_space<hbm>>)
        tpu.yield
      }) : () -> ()
    }
    %scan3A_7 = arith.constant 25 : i32
    return
  }
}

#map = affine_map<(d0, d1) -> (0, 0)>
#map1 = affine_map<(d0, d1) -> (0)>
module attributes {stable_mosaic.version = 14 : i64} {
  func.func @_sc_gather_sum(%arg0: i32, %arg1: i32, %arg2: memref<51200x256xf32, #tpu.memory_space<hbm>>, %arg3: memref<51200xi32, #tpu.memory_space<hbm>>, %arg4: memref<51200xi32, #tpu.memory_space<hbm>>, %arg5: memref<51200xi32, #tpu.memory_space<hbm>>, %arg6: memref<51200x256xf32, #tpu.memory_space<hbm>>, %arg7: memref<64xi32, #tpu.memory_space<vmem>>, %arg8: memref<64xi32, #tpu.memory_space<vmem>>, %arg9: memref<64xi32, #tpu.memory_space<vmem>>, %arg10: memref<64x256xf32, #tpu.memory_space<vmem>>, %arg11: memref<64x256xf32, #tpu.memory_space<vmem>>, %arg12: memref<64x256xf32, #tpu.memory_space<vmem>>, %arg13: memref<!tpu.dma_semaphore, #tpu.memory_space<semaphore_mem>>) attributes {dimension_semantics = [#tpu.dimension_semantics<core_parallel>, #tpu.dimension_semantics<subcore_parallel>], iteration_bounds = array<i64: 2, 16>, scalar_prefetch = 0 : i64, scratch_operands = 7 : i64, tpu.core_type = #tpu.core_type<sc_vector_subcore>, window_params = [{transform_indices = #map}, {transform_indices = #map1}, {transform_indices = #map1}, {transform_indices = #map1}, {transform_indices = #map}]} {
    %mul3A = arith.constant 2 : i32
    %mul3A_0 = arith.muli %arg1, %mul3A : i32
    %add3A = arith.addi %mul3A_0, %arg0 : i32
    %mul3A_1 = arith.constant 1600 : i32
    %mul3A_2 = arith.muli %add3A, %mul3A_1 : i32
    %scan3A = arith.constant 0 : i32
    %scan3A_3 = arith.constant 0 : i32
    %scan3A_4 = arith.constant 25 : i32
    %scan3A_5 = arith.addi %scan3A_3, %scan3A_4 : i32
    %scan3A_6 = arith.constant 1 : i32
    scf.for %scan3A_8 = %scan3A_3 to %scan3A_5 step %scan3A_6  : i32 {
      %mul3A_9 = arith.constant 64 : i32
      %mul3A_10 = arith.muli %scan3A_8, %mul3A_9 : i32
      %add3A_11 = arith.addi %mul3A_2, %mul3A_10 : i32
      "tpu.region"() ({
        %run_scoped3A = tpu.sem_alloc : memref<!tpu.dma_semaphore, #tpu.memory_space<semaphore_mem>>
        %dma_start3A_34 = tpu.memref_slice %arg3[%add3A_11] : memref<51200xi32, #tpu.memory_space<hbm>> -> memref<64xi32, #tpu.memory_space<hbm>>
        %dma_start3A_35 = tpu.memref_slice %arg3[%add3A_11] : memref<51200xi32, #tpu.memory_space<hbm>> -> memref<64xi32, #tpu.memory_space<hbm>>
        tpu.enqueue_dma source(%dma_start3A_35 : memref<64xi32, #tpu.memory_space<hbm>>) target(%arg7 : memref<64xi32, #tpu.memory_space<vmem>>) target_semaphore(%run_scoped3A : memref<!tpu.dma_semaphore, #tpu.memory_space<semaphore_mem>>)
        %dma_wait3A_36 = tpu.memref_slice %arg3[%add3A_11] : memref<51200xi32, #tpu.memory_space<hbm>> -> memref<64xi32, #tpu.memory_space<hbm>>
        %dma_wait3A_37 = tpu.memref_slice %arg3[%add3A_11] : memref<51200xi32, #tpu.memory_space<hbm>> -> memref<64xi32, #tpu.memory_space<hbm>>
        tpu.wait_dma2 semaphore(%run_scoped3A : memref<!tpu.dma_semaphore, #tpu.memory_space<semaphore_mem>>) src(%dma_wait3A_37 : memref<64xi32, #tpu.memory_space<hbm>>) dst(%arg7 : memref<64xi32, #tpu.memory_space<vmem>>)
        tpu.yield
      }) : () -> ()
      "tpu.region"() ({
        %run_scoped3A = tpu.sem_alloc : memref<!tpu.dma_semaphore, #tpu.memory_space<semaphore_mem>>
        %dma_start3A_34 = tpu.memref_slice %arg4[%add3A_11] : memref<51200xi32, #tpu.memory_space<hbm>> -> memref<64xi32, #tpu.memory_space<hbm>>
        %dma_start3A_35 = tpu.memref_slice %arg4[%add3A_11] : memref<51200xi32, #tpu.memory_space<hbm>> -> memref<64xi32, #tpu.memory_space<hbm>>
        tpu.enqueue_dma source(%dma_start3A_35 : memref<64xi32, #tpu.memory_space<hbm>>) target(%arg8 : memref<64xi32, #tpu.memory_space<vmem>>) target_semaphore(%run_scoped3A : memref<!tpu.dma_semaphore, #tpu.memory_space<semaphore_mem>>)
        %dma_wait3A_36 = tpu.memref_slice %arg4[%add3A_11] : memref<51200xi32, #tpu.memory_space<hbm>> -> memref<64xi32, #tpu.memory_space<hbm>>
        %dma_wait3A_37 = tpu.memref_slice %arg4[%add3A_11] : memref<51200xi32, #tpu.memory_space<hbm>> -> memref<64xi32, #tpu.memory_space<hbm>>
        tpu.wait_dma2 semaphore(%run_scoped3A : memref<!tpu.dma_semaphore, #tpu.memory_space<semaphore_mem>>) src(%dma_wait3A_37 : memref<64xi32, #tpu.memory_space<hbm>>) dst(%arg8 : memref<64xi32, #tpu.memory_space<vmem>>)
        tpu.yield
      }) : () -> ()
      "tpu.region"() ({
        %run_scoped3A = tpu.sem_alloc : memref<!tpu.dma_semaphore, #tpu.memory_space<semaphore_mem>>
        %dma_start3A_34 = tpu.memref_slice %arg5[%add3A_11] : memref<51200xi32, #tpu.memory_space<hbm>> -> memref<64xi32, #tpu.memory_space<hbm>>
        %dma_start3A_35 = tpu.memref_slice %arg5[%add3A_11] : memref<51200xi32, #tpu.memory_space<hbm>> -> memref<64xi32, #tpu.memory_space<hbm>>
        tpu.enqueue_dma source(%dma_start3A_35 : memref<64xi32, #tpu.memory_space<hbm>>) target(%arg9 : memref<64xi32, #tpu.memory_space<vmem>>) target_semaphore(%run_scoped3A : memref<!tpu.dma_semaphore, #tpu.memory_space<semaphore_mem>>)
        %dma_wait3A_36 = tpu.memref_slice %arg5[%add3A_11] : memref<51200xi32, #tpu.memory_space<hbm>> -> memref<64xi32, #tpu.memory_space<hbm>>
        %dma_wait3A_37 = tpu.memref_slice %arg5[%add3A_11] : memref<51200xi32, #tpu.memory_space<hbm>> -> memref<64xi32, #tpu.memory_space<hbm>>
        tpu.wait_dma2 semaphore(%run_scoped3A : memref<!tpu.dma_semaphore, #tpu.memory_space<semaphore_mem>>) src(%dma_wait3A_37 : memref<64xi32, #tpu.memory_space<hbm>>) dst(%arg9 : memref<64xi32, #tpu.memory_space<vmem>>)
        tpu.yield
      }) : () -> ()
      %dma_start3A = arith.constant 0 : i32
      %dma_start3A_12 = arith.constant 0 : i32
      %dma_start3A_13 = tpu.memref_slice %arg2[%dma_start3A, %dma_start3A_12] : memref<51200x256xf32, #tpu.memory_space<hbm>> -> memref<51200x256xf32, #tpu.memory_space<hbm>>
      tpu.enqueue_indirect_dma source(%dma_start3A_13 : memref<51200x256xf32, #tpu.memory_space<hbm>>) target(%arg10 : memref<64x256xf32, #tpu.memory_space<vmem>>) offsets(%arg7 : memref<64xi32, #tpu.memory_space<vmem>>) semaphore(%arg13 : memref<!tpu.dma_semaphore, #tpu.memory_space<semaphore_mem>>)
      %dma_start3A_14 = arith.constant 0 : i32
      %dma_start3A_15 = arith.constant 0 : i32
      %dma_start3A_16 = tpu.memref_slice %arg2[%dma_start3A_14, %dma_start3A_15] : memref<51200x256xf32, #tpu.memory_space<hbm>> -> memref<51200x256xf32, #tpu.memory_space<hbm>>
      tpu.enqueue_indirect_dma source(%dma_start3A_16 : memref<51200x256xf32, #tpu.memory_space<hbm>>) target(%arg11 : memref<64x256xf32, #tpu.memory_space<vmem>>) offsets(%arg8 : memref<64xi32, #tpu.memory_space<vmem>>) semaphore(%arg13 : memref<!tpu.dma_semaphore, #tpu.memory_space<semaphore_mem>>)
      %dma_start3A_17 = arith.constant 0 : i32
      %dma_start3A_18 = arith.constant 0 : i32
      %dma_start3A_19 = tpu.memref_slice %arg2[%dma_start3A_17, %dma_start3A_18] : memref<51200x256xf32, #tpu.memory_space<hbm>> -> memref<51200x256xf32, #tpu.memory_space<hbm>>
      tpu.enqueue_indirect_dma source(%dma_start3A_19 : memref<51200x256xf32, #tpu.memory_space<hbm>>) target(%arg12 : memref<64x256xf32, #tpu.memory_space<vmem>>) offsets(%arg9 : memref<64xi32, #tpu.memory_space<vmem>>) semaphore(%arg13 : memref<!tpu.dma_semaphore, #tpu.memory_space<semaphore_mem>>)
      %dma_wait3A = arith.constant 0 : i32
      %dma_wait3A_20 = arith.constant 0 : i32
      %dma_wait3A_21 = tpu.memref_slice %arg2[%dma_wait3A, %dma_wait3A_20] : memref<51200x256xf32, #tpu.memory_space<hbm>> -> memref<51200x256xf32, #tpu.memory_space<hbm>>
      tpu.wait_indirect_dma semaphore(%arg13 : memref<!tpu.dma_semaphore, #tpu.memory_space<semaphore_mem>>) src(%dma_wait3A_21 : memref<51200x256xf32, #tpu.memory_space<hbm>>) dst(%arg10 : memref<64x256xf32, #tpu.memory_space<vmem>>)
      %dma_wait3A_22 = arith.constant 0 : i32
      %dma_wait3A_23 = arith.constant 0 : i32
      %dma_wait3A_24 = tpu.memref_slice %arg2[%dma_wait3A_22, %dma_wait3A_23] : memref<51200x256xf32, #tpu.memory_space<hbm>> -> memref<51200x256xf32, #tpu.memory_space<hbm>>
      tpu.wait_indirect_dma semaphore(%arg13 : memref<!tpu.dma_semaphore, #tpu.memory_space<semaphore_mem>>) src(%dma_wait3A_24 : memref<51200x256xf32, #tpu.memory_space<hbm>>) dst(%arg11 : memref<64x256xf32, #tpu.memory_space<vmem>>)
      %dma_wait3A_25 = arith.constant 0 : i32
      %dma_wait3A_26 = arith.constant 0 : i32
      %dma_wait3A_27 = tpu.memref_slice %arg2[%dma_wait3A_25, %dma_wait3A_26] : memref<51200x256xf32, #tpu.memory_space<hbm>> -> memref<51200x256xf32, #tpu.memory_space<hbm>>
      tpu.wait_indirect_dma semaphore(%arg13 : memref<!tpu.dma_semaphore, #tpu.memory_space<semaphore_mem>>) src(%dma_wait3A_27 : memref<51200x256xf32, #tpu.memory_space<hbm>>) dst(%arg12 : memref<64x256xf32, #tpu.memory_space<vmem>>)
      %scan3A_28 = arith.constant 0 : i32
      %scan3A_29 = arith.constant 0 : i32
      %scan3A_30 = arith.constant 64 : i32
      %scan3A_31 = arith.addi %scan3A_29, %scan3A_30 : i32
      %scan3A_32 = arith.constant 1 : i32
      scf.for %scan3A_34 = %scan3A_29 to %scan3A_31 step %scan3A_32  : i32 {
        %get3A = arith.index_cast %scan3A_34 : i32 to index
        %get3A_35 = arith.constant 0 : index
        %get3A_36 = tpu.vector_load %arg10[%get3A, %get3A_35] {strides = array<i32>} : memref<64x256xf32, #tpu.memory_space<vmem>>, vector<1x16xf32>,
        %get3A_37 = vector.shape_cast %get3A_36 : vector<1x16xf32> to vector<16xf32>
        %get3A_38 = arith.index_cast %scan3A_34 : i32 to index
        %get3A_39 = arith.constant 0 : index
        %get3A_40 = tpu.vector_load %arg11[%get3A_38, %get3A_39] {strides = array<i32>} : memref<64x256xf32, #tpu.memory_space<vmem>>, vector<1x16xf32>,
        %get3A_41 = vector.shape_cast %get3A_40 : vector<1x16xf32> to vector<16xf32>
        %add3A_42 = arith.addf %get3A_37, %get3A_41 : vector<16xf32>
        %get3A_43 = arith.index_cast %scan3A_34 : i32 to index
        %get3A_44 = arith.constant 0 : index
        %get3A_45 = tpu.vector_load %arg12[%get3A_43, %get3A_44] {strides = array<i32>} : memref<64x256xf32, #tpu.memory_space<vmem>>, vector<1x16xf32>,
        %get3A_46 = vector.shape_cast %get3A_45 : vector<1x16xf32> to vector<16xf32>
        %add3A_47 = arith.addf %add3A_42, %get3A_46 : vector<16xf32>
        %swap3A = arith.index_cast %scan3A_34 : i32 to index
        %swap3A_48 = arith.constant 0 : index
        %swap3A_49 = tpu.vector_load %arg10[%swap3A, %swap3A_48] {strides = array<i32>} : memref<64x256xf32, #tpu.memory_space<vmem>>, vector<1x16xf32>,
        %swap3A_50 = vector.shape_cast %swap3A_49 : vector<1x16xf32> to vector<16xf32>
        %swap3A_51 = vector.shape_cast %add3A_47 : vector<16xf32> to vector<1x16xf32>
        tpu.vector_store %arg10[%swap3A, %swap3A_48], %swap3A_51 {strides = array<i32>} : memref<64x256xf32, #tpu.memory_space<vmem>>, vector<1x16xf32>,
        %get3A_52 = arith.index_cast %scan3A_34 : i32 to index
        %get3A_53 = arith.constant 16 : index
        %get3A_54 = tpu.vector_load %arg10[%get3A_52, %get3A_53] {strides = array<i32>} : memref<64x256xf32, #tpu.memory_space<vmem>>, vector<1x16xf32>,
        %get3A_55 = vector.shape_cast %get3A_54 : vector<1x16xf32> to vector<16xf32>
        %get3A_56 = arith.index_cast %scan3A_34 : i32 to index
        %get3A_57 = arith.constant 16 : index
        %get3A_58 = tpu.vector_load %arg11[%get3A_56, %get3A_57] {strides = array<i32>} : memref<64x256xf32, #tpu.memory_space<vmem>>, vector<1x16xf32>,
        %get3A_59 = vector.shape_cast %get3A_58 : vector<1x16xf32> to vector<16xf32>
        %add3A_60 = arith.addf %get3A_55, %get3A_59 : vector<16xf32>
        %get3A_61 = arith.index_cast %scan3A_34 : i32 to index
        %get3A_62 = arith.constant 16 : index
        %get3A_63 = tpu.vector_load %arg12[%get3A_61, %get3A_62] {strides = array<i32>} : memref<64x256xf32, #tpu.memory_space<vmem>>, vector<1x16xf32>,
        %get3A_64 = vector.shape_cast %get3A_63 : vector<1x16xf32> to vector<16xf32>
        %add3A_65 = arith.addf %add3A_60, %get3A_64 : vector<16xf32>
        %swap3A_66 = arith.index_cast %scan3A_34 : i32 to index
        %swap3A_67 = arith.constant 16 : index
        %swap3A_68 = tpu.vector_load %arg10[%swap3A_66, %swap3A_67] {strides = array<i32>} : memref<64x256xf32, #tpu.memory_space<vmem>>, vector<1x16xf32>,
        %swap3A_69 = vector.shape_cast %swap3A_68 : vector<1x16xf32> to vector<16xf32>
        %swap3A_70 = vector.shape_cast %add3A_65 : vector<16xf32> to vector<1x16xf32>
        tpu.vector_store %arg10[%swap3A_66, %swap3A_67], %swap3A_70 {strides = array<i32>} : memref<64x256xf32, #tpu.memory_space<vmem>>, vector<1x16xf32>,
        %get3A_71 = arith.index_cast %scan3A_34 : i32 to index
        %get3A_72 = arith.constant 32 : index
        %get3A_73 = tpu.vector_load %arg10[%get3A_71, %get3A_72] {strides = array<i32>} : memref<64x256xf32, #tpu.memory_space<vmem>>, vector<1x16xf32>,
        %get3A_74 = vector.shape_cast %get3A_73 : vector<1x16xf32> to vector<16xf32>
        %get3A_75 = arith.index_cast %scan3A_34 : i32 to index
        %get3A_76 = arith.constant 32 : index
        %get3A_77 = tpu.vector_load %arg11[%get3A_75, %get3A_76] {strides = array<i32>} : memref<64x256xf32, #tpu.memory_space<vmem>>, vector<1x16xf32>,
        %get3A_78 = vector.shape_cast %get3A_77 : vector<1x16xf32> to vector<16xf32>
        %add3A_79 = arith.addf %get3A_74, %get3A_78 : vector<16xf32>
        %get3A_80 = arith.index_cast %scan3A_34 : i32 to index
        %get3A_81 = arith.constant 32 : index
        %get3A_82 = tpu.vector_load %arg12[%get3A_80, %get3A_81] {strides = array<i32>} : memref<64x256xf32, #tpu.memory_space<vmem>>, vector<1x16xf32>,
        %get3A_83 = vector.shape_cast %get3A_82 : vector<1x16xf32> to vector<16xf32>
        %add3A_84 = arith.addf %add3A_79, %get3A_83 : vector<16xf32>
        %swap3A_85 = arith.index_cast %scan3A_34 : i32 to index
        %swap3A_86 = arith.constant 32 : index
        %swap3A_87 = tpu.vector_load %arg10[%swap3A_85, %swap3A_86] {strides = array<i32>} : memref<64x256xf32, #tpu.memory_space<vmem>>, vector<1x16xf32>,
        %swap3A_88 = vector.shape_cast %swap3A_87 : vector<1x16xf32> to vector<16xf32>
        %swap3A_89 = vector.shape_cast %add3A_84 : vector<16xf32> to vector<1x16xf32>
        tpu.vector_store %arg10[%swap3A_85, %swap3A_86], %swap3A_89 {strides = array<i32>} : memref<64x256xf32, #tpu.memory_space<vmem>>, vector<1x16xf32>,
        %get3A_90 = arith.index_cast %scan3A_34 : i32 to index
        %get3A_91 = arith.constant 48 : index
        %get3A_92 = tpu.vector_load %arg10[%get3A_90, %get3A_91] {strides = array<i32>} : memref<64x256xf32, #tpu.memory_space<vmem>>, vector<1x16xf32>,
        %get3A_93 = vector.shape_cast %get3A_92 : vector<1x16xf32> to vector<16xf32>
        %get3A_94 = arith.index_cast %scan3A_34 : i32 to index
        %get3A_95 = arith.constant 48 : index
        %get3A_96 = tpu.vector_load %arg11[%get3A_94, %get3A_95] {strides = array<i32>} : memref<64x256xf32, #tpu.memory_space<vmem>>, vector<1x16xf32>,
        %get3A_97 = vector.shape_cast %get3A_96 : vector<1x16xf32> to vector<16xf32>
        %add3A_98 = arith.addf %get3A_93, %get3A_97 : vector<16xf32>
        %get3A_99 = arith.index_cast %scan3A_34 : i32 to index
        %get3A_100 = arith.constant 48 : index
        %get3A_101 = tpu.vector_load %arg12[%get3A_99, %get3A_100] {strides = array<i32>} : memref<64x256xf32, #tpu.memory_space<vmem>>, vector<1x16xf32>,
        %get3A_102 = vector.shape_cast %get3A_101 : vector<1x16xf32> to vector<16xf32>
        %add3A_103 = arith.addf %add3A_98, %get3A_102 : vector<16xf32>
        %swap3A_104 = arith.index_cast %scan3A_34 : i32 to index
        %swap3A_105 = arith.constant 48 : index
        %swap3A_106 = tpu.vector_load %arg10[%swap3A_104, %swap3A_105] {strides = array<i32>} : memref<64x256xf32, #tpu.memory_space<vmem>>, vector<1x16xf32>,
        %swap3A_107 = vector.shape_cast %swap3A_106 : vector<1x16xf32> to vector<16xf32>
        %swap3A_108 = vector.shape_cast %add3A_103 : vector<16xf32> to vector<1x16xf32>
        tpu.vector_store %arg10[%swap3A_104, %swap3A_105], %swap3A_108 {strides = array<i32>} : memref<64x256xf32, #tpu.memory_space<vmem>>, vector<1x16xf32>,
        %get3A_109 = arith.index_cast %scan3A_34 : i32 to index
        %get3A_110 = arith.constant 64 : index
        %get3A_111 = tpu.vector_load %arg10[%get3A_109, %get3A_110] {strides = array<i32>} : memref<64x256xf32, #tpu.memory_space<vmem>>, vector<1x16xf32>,
        %get3A_112 = vector.shape_cast %get3A_111 : vector<1x16xf32> to vector<16xf32>
        %get3A_113 = arith.index_cast %scan3A_34 : i32 to index
        %get3A_114 = arith.constant 64 : index
        %get3A_115 = tpu.vector_load %arg11[%get3A_113, %get3A_114] {strides = array<i32>} : memref<64x256xf32, #tpu.memory_space<vmem>>, vector<1x16xf32>,
        %get3A_116 = vector.shape_cast %get3A_115 : vector<1x16xf32> to vector<16xf32>
        %add3A_117 = arith.addf %get3A_112, %get3A_116 : vector<16xf32>
        %get3A_118 = arith.index_cast %scan3A_34 : i32 to index
        %get3A_119 = arith.constant 64 : index
        %get3A_120 = tpu.vector_load %arg12[%get3A_118, %get3A_119] {strides = array<i32>} : memref<64x256xf32, #tpu.memory_space<vmem>>, vector<1x16xf32>,
        %get3A_121 = vector.shape_cast %get3A_120 : vector<1x16xf32> to vector<16xf32>
        %add3A_122 = arith.addf %add3A_117, %get3A_121 : vector<16xf32>
        %swap3A_123 = arith.index_cast %scan3A_34 : i32 to index
        %swap3A_124 = arith.constant 64 : index
        %swap3A_125 = tpu.vector_load %arg10[%swap3A_123, %swap3A_124] {strides = array<i32>} : memref<64x256xf32, #tpu.memory_space<vmem>>, vector<1x16xf32>,
        %swap3A_126 = vector.shape_cast %swap3A_125 : vector<1x16xf32> to vector<16xf32>
        %swap3A_127 = vector.shape_cast %add3A_122 : vector<16xf32> to vector<1x16xf32>
        tpu.vector_store %arg10[%swap3A_123, %swap3A_124], %swap3A_127 {strides = array<i32>} : memref<64x256xf32, #tpu.memory_space<vmem>>, vector<1x16xf32>,
        %get3A_128 = arith.index_cast %scan3A_34 : i32 to index
        %get3A_129 = arith.constant 80 : index
        %get3A_130 = tpu.vector_load %arg10[%get3A_128, %get3A_129] {strides = array<i32>} : memref<64x256xf32, #tpu.memory_space<vmem>>, vector<1x16xf32>,
        %get3A_131 = vector.shape_cast %get3A_130 : vector<1x16xf32> to vector<16xf32>
        %get3A_132 = arith.index_cast %scan3A_34 : i32 to index
        %get3A_133 = arith.constant 80 : index
        %get3A_134 = tpu.vector_load %arg11[%get3A_132, %get3A_133] {strides = array<i32>} : memref<64x256xf32, #tpu.memory_space<vmem>>, vector<1x16xf32>,
        %get3A_135 = vector.shape_cast %get3A_134 : vector<1x16xf32> to vector<16xf32>
        %add3A_136 = arith.addf %get3A_131, %get3A_135 : vector<16xf32>
        %get3A_137 = arith.index_cast %scan3A_34 : i32 to index
        %get3A_138 = arith.constant 80 : index
        %get3A_139 = tpu.vector_load %arg12[%get3A_137, %get3A_138] {strides = array<i32>} : memref<64x256xf32, #tpu.memory_space<vmem>>, vector<1x16xf32>,
        %get3A_140 = vector.shape_cast %get3A_139 : vector<1x16xf32> to vector<16xf32>
        %add3A_141 = arith.addf %add3A_136, %get3A_140 : vector<16xf32>
        %swap3A_142 = arith.index_cast %scan3A_34 : i32 to index
        %swap3A_143 = arith.constant 80 : index
        %swap3A_144 = tpu.vector_load %arg10[%swap3A_142, %swap3A_143] {strides = array<i32>} : memref<64x256xf32, #tpu.memory_space<vmem>>, vector<1x16xf32>,
        %swap3A_145 = vector.shape_cast %swap3A_144 : vector<1x16xf32> to vector<16xf32>
        %swap3A_146 = vector.shape_cast %add3A_141 : vector<16xf32> to vector<1x16xf32>
        tpu.vector_store %arg10[%swap3A_142, %swap3A_143], %swap3A_146 {strides = array<i32>} : memref<64x256xf32, #tpu.memory_space<vmem>>, vector<1x16xf32>,
        %get3A_147 = arith.index_cast %scan3A_34 : i32 to index
        %get3A_148 = arith.constant 96 : index
        %get3A_149 = tpu.vector_load %arg10[%get3A_147, %get3A_148] {strides = array<i32>} : memref<64x256xf32, #tpu.memory_space<vmem>>, vector<1x16xf32>,
        %get3A_150 = vector.shape_cast %get3A_149 : vector<1x16xf32> to vector<16xf32>
        %get3A_151 = arith.index_cast %scan3A_34 : i32 to index
        %get3A_152 = arith.constant 96 : index
        %get3A_153 = tpu.vector_load %arg11[%get3A_151, %get3A_152] {strides = array<i32>} : memref<64x256xf32, #tpu.memory_space<vmem>>, vector<1x16xf32>,
        %get3A_154 = vector.shape_cast %get3A_153 : vector<1x16xf32> to vector<16xf32>
        %add3A_155 = arith.addf %get3A_150, %get3A_154 : vector<16xf32>
        %get3A_156 = arith.index_cast %scan3A_34 : i32 to index
        %get3A_157 = arith.constant 96 : index
        %get3A_158 = tpu.vector_load %arg12[%get3A_156, %get3A_157] {strides = array<i32>} : memref<64x256xf32, #tpu.memory_space<vmem>>, vector<1x16xf32>,
        %get3A_159 = vector.shape_cast %get3A_158 : vector<1x16xf32> to vector<16xf32>
        %add3A_160 = arith.addf %add3A_155, %get3A_159 : vector<16xf32>
        %swap3A_161 = arith.index_cast %scan3A_34 : i32 to index
        %swap3A_162 = arith.constant 96 : index
        %swap3A_163 = tpu.vector_load %arg10[%swap3A_161, %swap3A_162] {strides = array<i32>} : memref<64x256xf32, #tpu.memory_space<vmem>>, vector<1x16xf32>,
        %swap3A_164 = vector.shape_cast %swap3A_163 : vector<1x16xf32> to vector<16xf32>
        %swap3A_165 = vector.shape_cast %add3A_160 : vector<16xf32> to vector<1x16xf32>
        tpu.vector_store %arg10[%swap3A_161, %swap3A_162], %swap3A_165 {strides = array<i32>} : memref<64x256xf32, #tpu.memory_space<vmem>>, vector<1x16xf32>,
        %get3A_166 = arith.index_cast %scan3A_34 : i32 to index
        %get3A_167 = arith.constant 112 : index
        %get3A_168 = tpu.vector_load %arg10[%get3A_166, %get3A_167] {strides = array<i32>} : memref<64x256xf32, #tpu.memory_space<vmem>>, vector<1x16xf32>,
        %get3A_169 = vector.shape_cast %get3A_168 : vector<1x16xf32> to vector<16xf32>
        %get3A_170 = arith.index_cast %scan3A_34 : i32 to index
        %get3A_171 = arith.constant 112 : index
        %get3A_172 = tpu.vector_load %arg11[%get3A_170, %get3A_171] {strides = array<i32>} : memref<64x256xf32, #tpu.memory_space<vmem>>, vector<1x16xf32>,
        %get3A_173 = vector.shape_cast %get3A_172 : vector<1x16xf32> to vector<16xf32>
        %add3A_174 = arith.addf %get3A_169, %get3A_173 : vector<16xf32>
        %get3A_175 = arith.index_cast %scan3A_34 : i32 to index
        %get3A_176 = arith.constant 112 : index
        %get3A_177 = tpu.vector_load %arg12[%get3A_175, %get3A_176] {strides = array<i32>} : memref<64x256xf32, #tpu.memory_space<vmem>>, vector<1x16xf32>,
        %get3A_178 = vector.shape_cast %get3A_177 : vector<1x16xf32> to vector<16xf32>
        %add3A_179 = arith.addf %add3A_174, %get3A_178 : vector<16xf32>
        %swap3A_180 = arith.index_cast %scan3A_34 : i32 to index
        %swap3A_181 = arith.constant 112 : index
        %swap3A_182 = tpu.vector_load %arg10[%swap3A_180, %swap3A_181] {strides = array<i32>} : memref<64x256xf32, #tpu.memory_space<vmem>>, vector<1x16xf32>,
        %swap3A_183 = vector.shape_cast %swap3A_182 : vector<1x16xf32> to vector<16xf32>
        %swap3A_184 = vector.shape_cast %add3A_179 : vector<16xf32> to vector<1x16xf32>
        tpu.vector_store %arg10[%swap3A_180, %swap3A_181], %swap3A_184 {strides = array<i32>} : memref<64x256xf32, #tpu.memory_space<vmem>>, vector<1x16xf32>,
        %get3A_185 = arith.index_cast %scan3A_34 : i32 to index
        %get3A_186 = arith.constant 128 : index
        %get3A_187 = tpu.vector_load %arg10[%get3A_185, %get3A_186] {strides = array<i32>} : memref<64x256xf32, #tpu.memory_space<vmem>>, vector<1x16xf32>,
        %get3A_188 = vector.shape_cast %get3A_187 : vector<1x16xf32> to vector<16xf32>
        %get3A_189 = arith.index_cast %scan3A_34 : i32 to index
        %get3A_190 = arith.constant 128 : index
        %get3A_191 = tpu.vector_load %arg11[%get3A_189, %get3A_190] {strides = array<i32>} : memref<64x256xf32, #tpu.memory_space<vmem>>, vector<1x16xf32>,
        %get3A_192 = vector.shape_cast %get3A_191 : vector<1x16xf32> to vector<16xf32>
        %add3A_193 = arith.addf %get3A_188, %get3A_192 : vector<16xf32>
        %get3A_194 = arith.index_cast %scan3A_34 : i32 to index
        %get3A_195 = arith.constant 128 : index
        %get3A_196 = tpu.vector_load %arg12[%get3A_194, %get3A_195] {strides = array<i32>} : memref<64x256xf32, #tpu.memory_space<vmem>>, vector<1x16xf32>,
        %get3A_197 = vector.shape_cast %get3A_196 : vector<1x16xf32> to vector<16xf32>
        %add3A_198 = arith.addf %add3A_193, %get3A_197 : vector<16xf32>
        %swap3A_199 = arith.index_cast %scan3A_34 : i32 to index
        %swap3A_200 = arith.constant 128 : index
        %swap3A_201 = tpu.vector_load %arg10[%swap3A_199, %swap3A_200] {strides = array<i32>} : memref<64x256xf32, #tpu.memory_space<vmem>>, vector<1x16xf32>,
        %swap3A_202 = vector.shape_cast %swap3A_201 : vector<1x16xf32> to vector<16xf32>
        %swap3A_203 = vector.shape_cast %add3A_198 : vector<16xf32> to vector<1x16xf32>
        tpu.vector_store %arg10[%swap3A_199, %swap3A_200], %swap3A_203 {strides = array<i32>} : memref<64x256xf32, #tpu.memory_space<vmem>>, vector<1x16xf32>,
        %get3A_204 = arith.index_cast %scan3A_34 : i32 to index
        %get3A_205 = arith.constant 144 : index
        %get3A_206 = tpu.vector_load %arg10[%get3A_204, %get3A_205] {strides = array<i32>} : memref<64x256xf32, #tpu.memory_space<vmem>>, vector<1x16xf32>,
        %get3A_207 = vector.shape_cast %get3A_206 : vector<1x16xf32> to vector<16xf32>
        %get3A_208 = arith.index_cast %scan3A_34 : i32 to index
        %get3A_209 = arith.constant 144 : index
        %get3A_210 = tpu.vector_load %arg11[%get3A_208, %get3A_209] {strides = array<i32>} : memref<64x256xf32, #tpu.memory_space<vmem>>, vector<1x16xf32>,
        %get3A_211 = vector.shape_cast %get3A_210 : vector<1x16xf32> to vector<16xf32>
        %add3A_212 = arith.addf %get3A_207, %get3A_211 : vector<16xf32>
        %get3A_213 = arith.index_cast %scan3A_34 : i32 to index
        %get3A_214 = arith.constant 144 : index
        %get3A_215 = tpu.vector_load %arg12[%get3A_213, %get3A_214] {strides = array<i32>} : memref<64x256xf32, #tpu.memory_space<vmem>>, vector<1x16xf32>,
        %get3A_216 = vector.shape_cast %get3A_215 : vector<1x16xf32> to vector<16xf32>
        %add3A_217 = arith.addf %add3A_212, %get3A_216 : vector<16xf32>
        %swap3A_218 = arith.index_cast %scan3A_34 : i32 to index
        %swap3A_219 = arith.constant 144 : index
        %swap3A_220 = tpu.vector_load %arg10[%swap3A_218, %swap3A_219] {strides = array<i32>} : memref<64x256xf32, #tpu.memory_space<vmem>>, vector<1x16xf32>,
        %swap3A_221 = vector.shape_cast %swap3A_220 : vector<1x16xf32> to vector<16xf32>
        %swap3A_222 = vector.shape_cast %add3A_217 : vector<16xf32> to vector<1x16xf32>
        tpu.vector_store %arg10[%swap3A_218, %swap3A_219], %swap3A_222 {strides = array<i32>} : memref<64x256xf32, #tpu.memory_space<vmem>>, vector<1x16xf32>,
        %get3A_223 = arith.index_cast %scan3A_34 : i32 to index
        %get3A_224 = arith.constant 160 : index
        %get3A_225 = tpu.vector_load %arg10[%get3A_223, %get3A_224] {strides = array<i32>} : memref<64x256xf32, #tpu.memory_space<vmem>>, vector<1x16xf32>,
        %get3A_226 = vector.shape_cast %get3A_225 : vector<1x16xf32> to vector<16xf32>
        %get3A_227 = arith.index_cast %scan3A_34 : i32 to index
        %get3A_228 = arith.constant 160 : index
        %get3A_229 = tpu.vector_load %arg11[%get3A_227, %get3A_228] {strides = array<i32>} : memref<64x256xf32, #tpu.memory_space<vmem>>, vector<1x16xf32>,
        %get3A_230 = vector.shape_cast %get3A_229 : vector<1x16xf32> to vector<16xf32>
        %add3A_231 = arith.addf %get3A_226, %get3A_230 : vector<16xf32>
        %get3A_232 = arith.index_cast %scan3A_34 : i32 to index
        %get3A_233 = arith.constant 160 : index
        %get3A_234 = tpu.vector_load %arg12[%get3A_232, %get3A_233] {strides = array<i32>} : memref<64x256xf32, #tpu.memory_space<vmem>>, vector<1x16xf32>,
        %get3A_235 = vector.shape_cast %get3A_234 : vector<1x16xf32> to vector<16xf32>
        %add3A_236 = arith.addf %add3A_231, %get3A_235 : vector<16xf32>
        %swap3A_237 = arith.index_cast %scan3A_34 : i32 to index
        %swap3A_238 = arith.constant 160 : index
        %swap3A_239 = tpu.vector_load %arg10[%swap3A_237, %swap3A_238] {strides = array<i32>} : memref<64x256xf32, #tpu.memory_space<vmem>>, vector<1x16xf32>,
        %swap3A_240 = vector.shape_cast %swap3A_239 : vector<1x16xf32> to vector<16xf32>
        %swap3A_241 = vector.shape_cast %add3A_236 : vector<16xf32> to vector<1x16xf32>
        tpu.vector_store %arg10[%swap3A_237, %swap3A_238], %swap3A_241 {strides = array<i32>} : memref<64x256xf32, #tpu.memory_space<vmem>>, vector<1x16xf32>,
        %get3A_242 = arith.index_cast %scan3A_34 : i32 to index
        %get3A_243 = arith.constant 176 : index
        %get3A_244 = tpu.vector_load %arg10[%get3A_242, %get3A_243] {strides = array<i32>} : memref<64x256xf32, #tpu.memory_space<vmem>>, vector<1x16xf32>,
        %get3A_245 = vector.shape_cast %get3A_244 : vector<1x16xf32> to vector<16xf32>
        %get3A_246 = arith.index_cast %scan3A_34 : i32 to index
        %get3A_247 = arith.constant 176 : index
        %get3A_248 = tpu.vector_load %arg11[%get3A_246, %get3A_247] {strides = array<i32>} : memref<64x256xf32, #tpu.memory_space<vmem>>, vector<1x16xf32>,
        %get3A_249 = vector.shape_cast %get3A_248 : vector<1x16xf32> to vector<16xf32>
        %add3A_250 = arith.addf %get3A_245, %get3A_249 : vector<16xf32>
        %get3A_251 = arith.index_cast %scan3A_34 : i32 to index
        %get3A_252 = arith.constant 176 : index
        %get3A_253 = tpu.vector_load %arg12[%get3A_251, %get3A_252] {strides = array<i32>} : memref<64x256xf32, #tpu.memory_space<vmem>>, vector<1x16xf32>,
        %get3A_254 = vector.shape_cast %get3A_253 : vector<1x16xf32> to vector<16xf32>
        %add3A_255 = arith.addf %add3A_250, %get3A_254 : vector<16xf32>
        %swap3A_256 = arith.index_cast %scan3A_34 : i32 to index
        %swap3A_257 = arith.constant 176 : index
        %swap3A_258 = tpu.vector_load %arg10[%swap3A_256, %swap3A_257] {strides = array<i32>} : memref<64x256xf32, #tpu.memory_space<vmem>>, vector<1x16xf32>,
        %swap3A_259 = vector.shape_cast %swap3A_258 : vector<1x16xf32> to vector<16xf32>
        %swap3A_260 = vector.shape_cast %add3A_255 : vector<16xf32> to vector<1x16xf32>
        tpu.vector_store %arg10[%swap3A_256, %swap3A_257], %swap3A_260 {strides = array<i32>} : memref<64x256xf32, #tpu.memory_space<vmem>>, vector<1x16xf32>,
        %get3A_261 = arith.index_cast %scan3A_34 : i32 to index
        %get3A_262 = arith.constant 192 : index
        %get3A_263 = tpu.vector_load %arg10[%get3A_261, %get3A_262] {strides = array<i32>} : memref<64x256xf32, #tpu.memory_space<vmem>>, vector<1x16xf32>,
        %get3A_264 = vector.shape_cast %get3A_263 : vector<1x16xf32> to vector<16xf32>
        %get3A_265 = arith.index_cast %scan3A_34 : i32 to index
        %get3A_266 = arith.constant 192 : index
        %get3A_267 = tpu.vector_load %arg11[%get3A_265, %get3A_266] {strides = array<i32>} : memref<64x256xf32, #tpu.memory_space<vmem>>, vector<1x16xf32>,
        %get3A_268 = vector.shape_cast %get3A_267 : vector<1x16xf32> to vector<16xf32>
        %add3A_269 = arith.addf %get3A_264, %get3A_268 : vector<16xf32>
        %get3A_270 = arith.index_cast %scan3A_34 : i32 to index
        %get3A_271 = arith.constant 192 : index
        %get3A_272 = tpu.vector_load %arg12[%get3A_270, %get3A_271] {strides = array<i32>} : memref<64x256xf32, #tpu.memory_space<vmem>>, vector<1x16xf32>,
        %get3A_273 = vector.shape_cast %get3A_272 : vector<1x16xf32> to vector<16xf32>
        %add3A_274 = arith.addf %add3A_269, %get3A_273 : vector<16xf32>
        %swap3A_275 = arith.index_cast %scan3A_34 : i32 to index
        %swap3A_276 = arith.constant 192 : index
        %swap3A_277 = tpu.vector_load %arg10[%swap3A_275, %swap3A_276] {strides = array<i32>} : memref<64x256xf32, #tpu.memory_space<vmem>>, vector<1x16xf32>,
        %swap3A_278 = vector.shape_cast %swap3A_277 : vector<1x16xf32> to vector<16xf32>
        %swap3A_279 = vector.shape_cast %add3A_274 : vector<16xf32> to vector<1x16xf32>
        tpu.vector_store %arg10[%swap3A_275, %swap3A_276], %swap3A_279 {strides = array<i32>} : memref<64x256xf32, #tpu.memory_space<vmem>>, vector<1x16xf32>,
        %get3A_280 = arith.index_cast %scan3A_34 : i32 to index
        %get3A_281 = arith.constant 208 : index
        %get3A_282 = tpu.vector_load %arg10[%get3A_280, %get3A_281] {strides = array<i32>} : memref<64x256xf32, #tpu.memory_space<vmem>>, vector<1x16xf32>,
        %get3A_283 = vector.shape_cast %get3A_282 : vector<1x16xf32> to vector<16xf32>
        %get3A_284 = arith.index_cast %scan3A_34 : i32 to index
        %get3A_285 = arith.constant 208 : index
        %get3A_286 = tpu.vector_load %arg11[%get3A_284, %get3A_285] {strides = array<i32>} : memref<64x256xf32, #tpu.memory_space<vmem>>, vector<1x16xf32>,
        %get3A_287 = vector.shape_cast %get3A_286 : vector<1x16xf32> to vector<16xf32>
        %add3A_288 = arith.addf %get3A_283, %get3A_287 : vector<16xf32>
        %get3A_289 = arith.index_cast %scan3A_34 : i32 to index
        %get3A_290 = arith.constant 208 : index
        %get3A_291 = tpu.vector_load %arg12[%get3A_289, %get3A_290] {strides = array<i32>} : memref<64x256xf32, #tpu.memory_space<vmem>>, vector<1x16xf32>,
        %get3A_292 = vector.shape_cast %get3A_291 : vector<1x16xf32> to vector<16xf32>
        %add3A_293 = arith.addf %add3A_288, %get3A_292 : vector<16xf32>
        %swap3A_294 = arith.index_cast %scan3A_34 : i32 to index
        %swap3A_295 = arith.constant 208 : index
        %swap3A_296 = tpu.vector_load %arg10[%swap3A_294, %swap3A_295] {strides = array<i32>} : memref<64x256xf32, #tpu.memory_space<vmem>>, vector<1x16xf32>,
        %swap3A_297 = vector.shape_cast %swap3A_296 : vector<1x16xf32> to vector<16xf32>
        %swap3A_298 = vector.shape_cast %add3A_293 : vector<16xf32> to vector<1x16xf32>
        tpu.vector_store %arg10[%swap3A_294, %swap3A_295], %swap3A_298 {strides = array<i32>} : memref<64x256xf32, #tpu.memory_space<vmem>>, vector<1x16xf32>,
        %get3A_299 = arith.index_cast %scan3A_34 : i32 to index
        %get3A_300 = arith.constant 224 : index
        %get3A_301 = tpu.vector_load %arg10[%get3A_299, %get3A_300] {strides = array<i32>} : memref<64x256xf32, #tpu.memory_space<vmem>>, vector<1x16xf32>,
        %get3A_302 = vector.shape_cast %get3A_301 : vector<1x16xf32> to vector<16xf32>
        %get3A_303 = arith.index_cast %scan3A_34 : i32 to index
        %get3A_304 = arith.constant 224 : index
        %get3A_305 = tpu.vector_load %arg11[%get3A_303, %get3A_304] {strides = array<i32>} : memref<64x256xf32, #tpu.memory_space<vmem>>, vector<1x16xf32>,
        %get3A_306 = vector.shape_cast %get3A_305 : vector<1x16xf32> to vector<16xf32>
        %add3A_307 = arith.addf %get3A_302, %get3A_306 : vector<16xf32>
        %get3A_308 = arith.index_cast %scan3A_34 : i32 to index
        %get3A_309 = arith.constant 224 : index
        %get3A_310 = tpu.vector_load %arg12[%get3A_308, %get3A_309] {strides = array<i32>} : memref<64x256xf32, #tpu.memory_space<vmem>>, vector<1x16xf32>,
        %get3A_311 = vector.shape_cast %get3A_310 : vector<1x16xf32> to vector<16xf32>
        %add3A_312 = arith.addf %add3A_307, %get3A_311 : vector<16xf32>
        %swap3A_313 = arith.index_cast %scan3A_34 : i32 to index
        %swap3A_314 = arith.constant 224 : index
        %swap3A_315 = tpu.vector_load %arg10[%swap3A_313, %swap3A_314] {strides = array<i32>} : memref<64x256xf32, #tpu.memory_space<vmem>>, vector<1x16xf32>,
        %swap3A_316 = vector.shape_cast %swap3A_315 : vector<1x16xf32> to vector<16xf32>
        %swap3A_317 = vector.shape_cast %add3A_312 : vector<16xf32> to vector<1x16xf32>
        tpu.vector_store %arg10[%swap3A_313, %swap3A_314], %swap3A_317 {strides = array<i32>} : memref<64x256xf32, #tpu.memory_space<vmem>>, vector<1x16xf32>,
        %get3A_318 = arith.index_cast %scan3A_34 : i32 to index
        %get3A_319 = arith.constant 240 : index
        %get3A_320 = tpu.vector_load %arg10[%get3A_318, %get3A_319] {strides = array<i32>} : memref<64x256xf32, #tpu.memory_space<vmem>>, vector<1x16xf32>,
        %get3A_321 = vector.shape_cast %get3A_320 : vector<1x16xf32> to vector<16xf32>
        %get3A_322 = arith.index_cast %scan3A_34 : i32 to index
        %get3A_323 = arith.constant 240 : index
        %get3A_324 = tpu.vector_load %arg11[%get3A_322, %get3A_323] {strides = array<i32>} : memref<64x256xf32, #tpu.memory_space<vmem>>, vector<1x16xf32>,
        %get3A_325 = vector.shape_cast %get3A_324 : vector<1x16xf32> to vector<16xf32>
        %add3A_326 = arith.addf %get3A_321, %get3A_325 : vector<16xf32>
        %get3A_327 = arith.index_cast %scan3A_34 : i32 to index
        %get3A_328 = arith.constant 240 : index
        %get3A_329 = tpu.vector_load %arg12[%get3A_327, %get3A_328] {strides = array<i32>} : memref<64x256xf32, #tpu.memory_space<vmem>>, vector<1x16xf32>,
        %get3A_330 = vector.shape_cast %get3A_329 : vector<1x16xf32> to vector<16xf32>
        %add3A_331 = arith.addf %add3A_326, %get3A_330 : vector<16xf32>
        %swap3A_332 = arith.index_cast %scan3A_34 : i32 to index
        %swap3A_333 = arith.constant 240 : index
        %swap3A_334 = tpu.vector_load %arg10[%swap3A_332, %swap3A_333] {strides = array<i32>} : memref<64x256xf32, #tpu.memory_space<vmem>>, vector<1x16xf32>,
        %swap3A_335 = vector.shape_cast %swap3A_334 : vector<1x16xf32> to vector<16xf32>
        %swap3A_336 = vector.shape_cast %add3A_331 : vector<16xf32> to vector<1x16xf32>
        tpu.vector_store %arg10[%swap3A_332, %swap3A_333], %swap3A_336 {strides = array<i32>} : memref<64x256xf32, #tpu.memory_space<vmem>>, vector<1x16xf32>,
      }
      %scan3A_33 = arith.constant 64 : i32
      "tpu.region"() ({
        %run_scoped3A = tpu.sem_alloc : memref<!tpu.dma_semaphore, #tpu.memory_space<semaphore_mem>>
        %dma_start3A_34 = arith.constant 0 : i32
        %dma_start3A_35 = tpu.memref_slice %arg6[%add3A_11, %dma_start3A_34] : memref<51200x256xf32, #tpu.memory_space<hbm>> -> memref<64x256xf32, #tpu.memory_space<hbm>>
        %dma_start3A_36 = arith.constant 0 : i32
        %dma_start3A_37 = tpu.memref_slice %arg6[%add3A_11, %dma_start3A_36] : memref<51200x256xf32, #tpu.memory_space<hbm>> -> memref<64x256xf32, #tpu.memory_space<hbm>>
        tpu.enqueue_dma source(%arg10 : memref<64x256xf32, #tpu.memory_space<vmem>>) target(%dma_start3A_37 : memref<64x256xf32, #tpu.memory_space<hbm>>) target_semaphore(%run_scoped3A : memref<!tpu.dma_semaphore, #tpu.memory_space<semaphore_mem>>)
        %dma_wait3A_38 = arith.constant 0 : i32
        %dma_wait3A_39 = tpu.memref_slice %arg6[%add3A_11, %dma_wait3A_38] : memref<51200x256xf32, #tpu.memory_space<hbm>> -> memref<64x256xf32, #tpu.memory_space<hbm>>
        %dma_wait3A_40 = arith.constant 0 : i32
        %dma_wait3A_41 = tpu.memref_slice %arg6[%add3A_11, %dma_wait3A_40] : memref<51200x256xf32, #tpu.memory_space<hbm>> -> memref<64x256xf32, #tpu.memory_space<hbm>>
        tpu.wait_dma2 semaphore(%run_scoped3A : memref<!tpu.dma_semaphore, #tpu.memory_space<semaphore_mem>>) src(%arg10 : memref<64x256xf32, #tpu.memory_space<vmem>>) dst(%dma_wait3A_41 : memref<64x256xf32, #tpu.memory_space<hbm>>)
        tpu.yield
      }) : () -> ()
    }
    %scan3A_7 = arith.constant 25 : i32
    return
  }
}

module attributes {stable_mosaic.version = 14 : i64} {
  func.func @_gates_body(%arg0: i32, %arg1: memref<4x400x256xf32, #tpu.memory_space<vmem>>, %arg2: memref<4x400x256xf32, #tpu.memory_space<vmem>>, %arg3: memref<256x768xf32, #tpu.memory_space<vmem>>, %arg4: memref<256x768xf32, #tpu.memory_space<vmem>>, %arg5: memref<1x768xf32, #tpu.memory_space<vmem>>, %arg6: memref<1x768xf32, #tpu.memory_space<vmem>>, %arg7: memref<4x400x256xf32, #tpu.memory_space<vmem>>) attributes {dimension_semantics = [#tpu.dimension_semantics<arbitrary>], iteration_bounds = array<i64: 32>, scalar_prefetch = 0 : i64, scratch_operands = 0 : i64, tpu.core_type = #tpu.core_type<tc>, window_params = [{transform_indices = @transform_0, window_bounds = array<i64: 4, 400, 256>}, {transform_indices = @transform_1, window_bounds = array<i64: 4, 400, 256>}, {pipeline_mode = #tpu.pipeline_mode<synchronous>, transform_indices = @transform_2, window_bounds = array<i64: 256, 768>}, {pipeline_mode = #tpu.pipeline_mode<synchronous>, transform_indices = @transform_3, window_bounds = array<i64: 256, 768>}, {pipeline_mode = #tpu.pipeline_mode<synchronous>, transform_indices = @transform_4, window_bounds = array<i64: 1, 768>}, {pipeline_mode = #tpu.pipeline_mode<synchronous>, transform_indices = @transform_5, window_bounds = array<i64: 1, 768>}, {transform_indices = @transform_6, window_bounds = array<i64: 4, 400, 256>}]} {
    %get3A = arith.constant 0 : index
    %get3A_0 = arith.constant 0 : index
    %get3A_1 = arith.constant 0 : index
    %get3A_2 = vector.load %arg1[%get3A, %get3A_0, %get3A_1] : memref<4x400x256xf32, #tpu.memory_space<vmem>>, vector<4x400x256xf32>
    %reshape3A = vector.shape_cast %get3A_2 : vector<4x400x256xf32> to vector<1600x256xf32>
    %get3A_3 = arith.constant 0 : index
    %get3A_4 = arith.constant 0 : index
    %get3A_5 = arith.constant 0 : index
    %get3A_6 = vector.load %arg2[%get3A_3, %get3A_4, %get3A_5] : memref<4x400x256xf32, #tpu.memory_space<vmem>>, vector<4x400x256xf32>
    %reshape3A_7 = vector.shape_cast %get3A_6 : vector<4x400x256xf32> to vector<1600x256xf32>
    %get3A_8 = arith.constant 0 : index
    %get3A_9 = arith.constant 0 : index
    %get3A_10 = vector.load %arg5[%get3A_8, %get3A_9] : memref<1x768xf32, #tpu.memory_space<vmem>>, vector<1x768xf32>
    %get3A_11 = vector.shape_cast %get3A_10 : vector<1x768xf32> to vector<768xf32>
    %get3A_12 = arith.constant 0 : index
    %get3A_13 = arith.constant 0 : index
    %get3A_14 = vector.load %arg6[%get3A_12, %get3A_13] : memref<1x768xf32, #tpu.memory_space<vmem>>, vector<1x768xf32>
    %get3A_15 = vector.shape_cast %get3A_14 : vector<1x768xf32> to vector<768xf32>
    %get3A_16 = arith.constant 0 : index
    %get3A_17 = arith.constant 0 : index
    %get3A_18 = vector.load %arg3[%get3A_16, %get3A_17] : memref<256x768xf32, #tpu.memory_space<vmem>>, vector<256x768xf32>
    %dot_general3A = arith.constant dense<0.000000e+00> : vector<1600x768xf32>
    %dot_general3A_19 = tpu.matmul %reshape3A_7, %get3A_18, %dot_general3A {dimension_numbers = #tpu.dot_dimension_numbers<[1], [0], [0], [1], [0, 0, 1, 1], [], []>, transpose_lhs_hint = false} : vector<1600x256xf32>, vector<256x768xf32>, vector<1600x768xf32> -> vector<1600x768xf32>
    %broadcast_in_dim3A = vector.shape_cast %get3A_11 : vector<768xf32> to vector<1x768xf32>
    %add3A = vector.broadcast %broadcast_in_dim3A : vector<1x768xf32> to vector<1600x768xf32>
    %add3A_20 = arith.addf %dot_general3A_19, %add3A : vector<1600x768xf32>
    %get3A_21 = arith.constant 0 : index
    %get3A_22 = arith.constant 0 : index
    %get3A_23 = vector.load %arg4[%get3A_21, %get3A_22] : memref<256x768xf32, #tpu.memory_space<vmem>>, vector<256x768xf32>
    %dot_general3A_24 = arith.constant dense<0.000000e+00> : vector<1600x768xf32>
    %dot_general3A_25 = tpu.matmul %reshape3A, %get3A_23, %dot_general3A_24 {dimension_numbers = #tpu.dot_dimension_numbers<[1], [0], [0], [1], [0, 0, 1, 1], [], []>, transpose_lhs_hint = false} : vector<1600x256xf32>, vector<256x768xf32>, vector<1600x768xf32> -> vector<1600x768xf32>
    %broadcast_in_dim3A_26 = vector.shape_cast %get3A_15 : vector<768xf32> to vector<1x768xf32>
    %add3A_27 = vector.broadcast %broadcast_in_dim3A_26 : vector<1x768xf32> to vector<1600x768xf32>
    %add3A_28 = arith.addf %dot_general3A_25, %add3A_27 : vector<1600x768xf32>
    %slice3A = vector.extract_strided_slice %add3A_20 {offsets = [0, 0], sizes = [1600, 256], strides = [1, 1]} : vector<1600x768xf32> to vector<1600x256xf32>
    %slice3A_29 = vector.extract_strided_slice %add3A_28 {offsets = [0, 0], sizes = [1600, 256], strides = [1, 1]} : vector<1600x768xf32> to vector<1600x256xf32>
    %add3A_30 = arith.addf %slice3A, %slice3A_29 : vector<1600x256xf32>
    %mul3A = arith.constant 5.000000e-01 : f32
    %mul3A_31 = vector.broadcast %mul3A : f32 to vector<1600x256xf32>
    %mul3A_32 = arith.mulf %mul3A_31, %add3A_30 : vector<1600x256xf32>
    %tanh3A = math.tanh %mul3A_32 : vector<1600x256xf32>
    %mul3A_33 = arith.constant 5.000000e-01 : f32
    %mul3A_34 = vector.broadcast %mul3A_33 : f32 to vector<1600x256xf32>
    %mul3A_35 = arith.mulf %mul3A_34, %tanh3A : vector<1600x256xf32>
    %add3A_36 = arith.constant 5.000000e-01 : f32
    %add3A_37 = vector.broadcast %add3A_36 : f32 to vector<1600x256xf32>
    %add3A_38 = arith.addf %add3A_37, %mul3A_35 : vector<1600x256xf32>
    %slice3A_39 = vector.extract_strided_slice %add3A_20 {offsets = [0, 256], sizes = [1600, 256], strides = [1, 1]} : vector<1600x768xf32> to vector<1600x256xf32>
    %slice3A_40 = vector.extract_strided_slice %add3A_28 {offsets = [0, 256], sizes = [1600, 256], strides = [1, 1]} : vector<1600x768xf32> to vector<1600x256xf32>
    %add3A_41 = arith.addf %slice3A_39, %slice3A_40 : vector<1600x256xf32>
    %mul3A_42 = arith.constant 5.000000e-01 : f32
    %mul3A_43 = vector.broadcast %mul3A_42 : f32 to vector<1600x256xf32>
    %mul3A_44 = arith.mulf %mul3A_43, %add3A_41 : vector<1600x256xf32>
    %tanh3A_45 = math.tanh %mul3A_44 : vector<1600x256xf32>
    %mul3A_46 = arith.constant 5.000000e-01 : f32
    %mul3A_47 = vector.broadcast %mul3A_46 : f32 to vector<1600x256xf32>
    %mul3A_48 = arith.mulf %mul3A_47, %tanh3A_45 : vector<1600x256xf32>
    %add3A_49 = arith.constant 5.000000e-01 : f32
    %add3A_50 = vector.broadcast %add3A_49 : f32 to vector<1600x256xf32>
    %add3A_51 = arith.addf %add3A_50, %mul3A_48 : vector<1600x256xf32>
    %slice3A_52 = vector.extract_strided_slice %add3A_20 {offsets = [0, 512], sizes = [1600, 256], strides = [1, 1]} : vector<1600x768xf32> to vector<1600x256xf32>
    %slice3A_53 = vector.extract_strided_slice %add3A_28 {offsets = [0, 512], sizes = [1600, 256], strides = [1, 1]} : vector<1600x768xf32> to vector<1600x256xf32>
    %mul3A_54 = arith.mulf %add3A_38, %slice3A_53 : vector<1600x256xf32>
    %add3A_55 = arith.addf %slice3A_52, %mul3A_54 : vector<1600x256xf32>
    %tanh3A_56 = math.tanh %add3A_55 : vector<1600x256xf32>
    %sub3A = arith.constant 1.000000e+00 : f32
    %sub3A_57 = vector.broadcast %sub3A : f32 to vector<1600x256xf32>
    %sub3A_58 = arith.subf %sub3A_57, %add3A_51 : vector<1600x256xf32>
    %mul3A_59 = arith.mulf %sub3A_58, %tanh3A_56 : vector<1600x256xf32>
    %mul3A_60 = arith.mulf %add3A_51, %reshape3A : vector<1600x256xf32>
    %add3A_61 = arith.addf %mul3A_59, %mul3A_60 : vector<1600x256xf32>
    %reshape3A_62 = vector.shape_cast %add3A_61 : vector<1600x256xf32> to vector<4x400x256xf32>
    %swap3A = arith.constant 0 : index
    %swap3A_63 = arith.constant 0 : index
    %swap3A_64 = arith.constant 0 : index
    %swap3A_65 = vector.load %arg7[%swap3A, %swap3A_63, %swap3A_64] : memref<4x400x256xf32, #tpu.memory_space<vmem>>, vector<4x400x256xf32>
    tpu.vector_store %arg7[%swap3A, %swap3A_63, %swap3A_64], %reshape3A_62 {strides = array<i32>} : memref<4x400x256xf32, #tpu.memory_space<vmem>>, vector<4x400x256xf32>,
    return
  }
  func.func @transform_0(%arg0: i32) -> (i32, i32, i32) {
    %c0_i32 = arith.constant 0 : i32
    %c0_i32_0 = arith.constant 0 : i32
    %c0_i32_1 = arith.constant 0 : i32
    return %arg0, %c0_i32, %c0_i32_0 : i32, i32, i32
  }
  func.func @transform_1(%arg0: i32) -> (i32, i32, i32) {
    %c0_i32 = arith.constant 0 : i32
    %c0_i32_0 = arith.constant 0 : i32
    %c0_i32_1 = arith.constant 0 : i32
    return %arg0, %c0_i32, %c0_i32_0 : i32, i32, i32
  }
  func.func @transform_2(%arg0: i32) -> (i32, i32) {
    %c0_i32 = arith.constant 0 : i32
    %c0_i32_0 = arith.constant 0 : i32
    %c0_i32_1 = arith.constant 0 : i32
    return %c0_i32, %c0_i32_0 : i32, i32
  }
  func.func @transform_3(%arg0: i32) -> (i32, i32) {
    %c0_i32 = arith.constant 0 : i32
    %c0_i32_0 = arith.constant 0 : i32
    %c0_i32_1 = arith.constant 0 : i32
    return %c0_i32, %c0_i32_0 : i32, i32
  }
  func.func @transform_4(%arg0: i32) -> (i32, i32) {
    %c0_i32 = arith.constant 0 : i32
    %c0_i32_0 = arith.constant 0 : i32
    %c0_i32_1 = arith.constant 0 : i32
    return %c0_i32, %c0_i32_0 : i32, i32
  }
  func.func @transform_5(%arg0: i32) -> (i32, i32) {
    %c0_i32 = arith.constant 0 : i32
    %c0_i32_0 = arith.constant 0 : i32
    %c0_i32_1 = arith.constant 0 : i32
    return %c0_i32, %c0_i32_0 : i32, i32
  }
  func.func @transform_6(%arg0: i32) -> (i32, i32, i32) {
    %c0_i32 = arith.constant 0 : i32
    %c0_i32_0 = arith.constant 0 : i32
    %c0_i32_1 = arith.constant 0 : i32
    return %arg0, %c0_i32, %c0_i32_0 : i32, i32, i32
  }
}

module attributes {stable_mosaic.version = 14 : i64} {
  func.func @_final_body(%arg0: i32, %arg1: memref<4x400x256xf32, #tpu.memory_space<vmem>>, %arg2: memref<4x400x256xf32, #tpu.memory_space<vmem>>, %arg3: memref<256x768xf32, #tpu.memory_space<vmem>>, %arg4: memref<256x768xf32, #tpu.memory_space<vmem>>, %arg5: memref<1x768xf32, #tpu.memory_space<vmem>>, %arg6: memref<1x768xf32, #tpu.memory_space<vmem>>, %arg7: memref<256x256xf32, #tpu.memory_space<vmem>>, %arg8: memref<1x256xf32, #tpu.memory_space<vmem>>, %arg9: memref<256x256xf32, #tpu.memory_space<vmem>>, %arg10: memref<1x256xf32, #tpu.memory_space<vmem>>, %arg11: memref<256x256xf32, #tpu.memory_space<vmem>>, %arg12: memref<1x256xf32, #tpu.memory_space<vmem>>, %arg13: memref<256x2xf32, #tpu.memory_space<vmem>>, %arg14: memref<1x2xf32, #tpu.memory_space<vmem>>, %arg15: memref<4x1x2xf32, #tpu.memory_space<vmem>>) attributes {dimension_semantics = [#tpu.dimension_semantics<arbitrary>], iteration_bounds = array<i64: 32>, scalar_prefetch = 0 : i64, scratch_operands = 0 : i64, tpu.core_type = #tpu.core_type<tc>, window_params = [{transform_indices = @transform_0, window_bounds = array<i64: 4, 400, 256>}, {transform_indices = @transform_1, window_bounds = array<i64: 4, 400, 256>}, {pipeline_mode = #tpu.pipeline_mode<synchronous>, transform_indices = @transform_2, window_bounds = array<i64: 256, 768>}, {pipeline_mode = #tpu.pipeline_mode<synchronous>, transform_indices = @transform_3, window_bounds = array<i64: 256, 768>}, {pipeline_mode = #tpu.pipeline_mode<synchronous>, transform_indices = @transform_4, window_bounds = array<i64: 1, 768>}, {pipeline_mode = #tpu.pipeline_mode<synchronous>, transform_indices = @transform_5, window_bounds = array<i64: 1, 768>}, {pipeline_mode = #tpu.pipeline_mode<synchronous>, transform_indices = @transform_6, window_bounds = array<i64: 256, 256>}, {pipeline_mode = #tpu.pipeline_mode<synchronous>, transform_indices = @transform_7, window_bounds = array<i64: 1, 256>}, {pipeline_mode = #tpu.pipeline_mode<synchronous>, transform_indices = @transform_8, window_bounds = array<i64: 256, 256>}, {pipeline_mode = #tpu.pipeline_mode<synchronous>, transform_indices = @transform_9, window_bounds = array<i64: 1, 256>}, {pipeline_mode = #tpu.pipeline_mode<synchronous>, transform_indices = @transform_10, window_bounds = array<i64: 256, 256>}, {pipeline_mode = #tpu.pipeline_mode<synchronous>, transform_indices = @transform_11, window_bounds = array<i64: 1, 256>}, {pipeline_mode = #tpu.pipeline_mode<synchronous>, transform_indices = @transform_12, window_bounds = array<i64: 256, 2>}, {pipeline_mode = #tpu.pipeline_mode<synchronous>, transform_indices = @transform_13, window_bounds = array<i64: 1, 2>}, {transform_indices = @transform_14, window_bounds = array<i64: 4, 1, 2>}]} {
    %get3A = arith.constant 0 : index
    %get3A_0 = arith.constant 0 : index
    %get3A_1 = arith.constant 0 : index
    %get3A_2 = vector.load %arg1[%get3A, %get3A_0, %get3A_1] : memref<4x400x256xf32, #tpu.memory_space<vmem>>, vector<4x400x256xf32>
    %reshape3A = vector.shape_cast %get3A_2 : vector<4x400x256xf32> to vector<1600x256xf32>
    %get3A_3 = arith.constant 0 : index
    %get3A_4 = arith.constant 0 : index
    %get3A_5 = arith.constant 0 : index
    %get3A_6 = vector.load %arg2[%get3A_3, %get3A_4, %get3A_5] : memref<4x400x256xf32, #tpu.memory_space<vmem>>, vector<4x400x256xf32>
    %reshape3A_7 = vector.shape_cast %get3A_6 : vector<4x400x256xf32> to vector<1600x256xf32>
    %get3A_8 = arith.constant 0 : index
    %get3A_9 = arith.constant 0 : index
    %get3A_10 = vector.load %arg5[%get3A_8, %get3A_9] : memref<1x768xf32, #tpu.memory_space<vmem>>, vector<1x768xf32>
    %get3A_11 = vector.shape_cast %get3A_10 : vector<1x768xf32> to vector<768xf32>
    %get3A_12 = arith.constant 0 : index
    %get3A_13 = arith.constant 0 : index
    %get3A_14 = vector.load %arg6[%get3A_12, %get3A_13] : memref<1x768xf32, #tpu.memory_space<vmem>>, vector<1x768xf32>
    %get3A_15 = vector.shape_cast %get3A_14 : vector<1x768xf32> to vector<768xf32>
    %get3A_16 = arith.constant 0 : index
    %get3A_17 = arith.constant 0 : index
    %get3A_18 = vector.load %arg3[%get3A_16, %get3A_17] : memref<256x768xf32, #tpu.memory_space<vmem>>, vector<256x768xf32>
    %dot_general3A = arith.constant dense<0.000000e+00> : vector<1600x768xf32>
    %dot_general3A_19 = tpu.matmul %reshape3A_7, %get3A_18, %dot_general3A {dimension_numbers = #tpu.dot_dimension_numbers<[1], [0], [0], [1], [0, 0, 1, 1], [], []>, transpose_lhs_hint = false} : vector<1600x256xf32>, vector<256x768xf32>, vector<1600x768xf32> -> vector<1600x768xf32>
    %broadcast_in_dim3A = vector.shape_cast %get3A_11 : vector<768xf32> to vector<1x768xf32>
    %add3A = vector.broadcast %broadcast_in_dim3A : vector<1x768xf32> to vector<1600x768xf32>
    %add3A_20 = arith.addf %dot_general3A_19, %add3A : vector<1600x768xf32>
    %get3A_21 = arith.constant 0 : index
    %get3A_22 = arith.constant 0 : index
    %get3A_23 = vector.load %arg4[%get3A_21, %get3A_22] : memref<256x768xf32, #tpu.memory_space<vmem>>, vector<256x768xf32>
    %dot_general3A_24 = arith.constant dense<0.000000e+00> : vector<1600x768xf32>
    %dot_general3A_25 = tpu.matmul %reshape3A, %get3A_23, %dot_general3A_24 {dimension_numbers = #tpu.dot_dimension_numbers<[1], [0], [0], [1], [0, 0, 1, 1], [], []>, transpose_lhs_hint = false} : vector<1600x256xf32>, vector<256x768xf32>, vector<1600x768xf32> -> vector<1600x768xf32>
    %broadcast_in_dim3A_26 = vector.shape_cast %get3A_15 : vector<768xf32> to vector<1x768xf32>
    %add3A_27 = vector.broadcast %broadcast_in_dim3A_26 : vector<1x768xf32> to vector<1600x768xf32>
    %add3A_28 = arith.addf %dot_general3A_25, %add3A_27 : vector<1600x768xf32>
    %slice3A = vector.extract_strided_slice %add3A_20 {offsets = [0, 0], sizes = [1600, 256], strides = [1, 1]} : vector<1600x768xf32> to vector<1600x256xf32>
    %slice3A_29 = vector.extract_strided_slice %add3A_28 {offsets = [0, 0], sizes = [1600, 256], strides = [1, 1]} : vector<1600x768xf32> to vector<1600x256xf32>
    %add3A_30 = arith.addf %slice3A, %slice3A_29 : vector<1600x256xf32>
    %mul3A = arith.constant 5.000000e-01 : f32
    %mul3A_31 = vector.broadcast %mul3A : f32 to vector<1600x256xf32>
    %mul3A_32 = arith.mulf %mul3A_31, %add3A_30 : vector<1600x256xf32>
    %tanh3A = math.tanh %mul3A_32 : vector<1600x256xf32>
    %mul3A_33 = arith.constant 5.000000e-01 : f32
    %mul3A_34 = vector.broadcast %mul3A_33 : f32 to vector<1600x256xf32>
    %mul3A_35 = arith.mulf %mul3A_34, %tanh3A : vector<1600x256xf32>
    %add3A_36 = arith.constant 5.000000e-01 : f32
    %add3A_37 = vector.broadcast %add3A_36 : f32 to vector<1600x256xf32>
    %add3A_38 = arith.addf %add3A_37, %mul3A_35 : vector<1600x256xf32>
    %slice3A_39 = vector.extract_strided_slice %add3A_20 {offsets = [0, 256], sizes = [1600, 256], strides = [1, 1]} : vector<1600x768xf32> to vector<1600x256xf32>
    %slice3A_40 = vector.extract_strided_slice %add3A_28 {offsets = [0, 256], sizes = [1600, 256], strides = [1, 1]} : vector<1600x768xf32> to vector<1600x256xf32>
    %add3A_41 = arith.addf %slice3A_39, %slice3A_40 : vector<1600x256xf32>
    %mul3A_42 = arith.constant 5.000000e-01 : f32
    %mul3A_43 = vector.broadcast %mul3A_42 : f32 to vector<1600x256xf32>
    %mul3A_44 = arith.mulf %mul3A_43, %add3A_41 : vector<1600x256xf32>
    %tanh3A_45 = math.tanh %mul3A_44 : vector<1600x256xf32>
    %mul3A_46 = arith.constant 5.000000e-01 : f32
    %mul3A_47 = vector.broadcast %mul3A_46 : f32 to vector<1600x256xf32>
    %mul3A_48 = arith.mulf %mul3A_47, %tanh3A_45 : vector<1600x256xf32>
    %add3A_49 = arith.constant 5.000000e-01 : f32
    %add3A_50 = vector.broadcast %add3A_49 : f32 to vector<1600x256xf32>
    %add3A_51 = arith.addf %add3A_50, %mul3A_48 : vector<1600x256xf32>
    %slice3A_52 = vector.extract_strided_slice %add3A_20 {offsets = [0, 512], sizes = [1600, 256], strides = [1, 1]} : vector<1600x768xf32> to vector<1600x256xf32>
    %slice3A_53 = vector.extract_strided_slice %add3A_28 {offsets = [0, 512], sizes = [1600, 256], strides = [1, 1]} : vector<1600x768xf32> to vector<1600x256xf32>
    %mul3A_54 = arith.mulf %add3A_38, %slice3A_53 : vector<1600x256xf32>
    %add3A_55 = arith.addf %slice3A_52, %mul3A_54 : vector<1600x256xf32>
    %tanh3A_56 = math.tanh %add3A_55 : vector<1600x256xf32>
    %sub3A = arith.constant 1.000000e+00 : f32
    %sub3A_57 = vector.broadcast %sub3A : f32 to vector<1600x256xf32>
    %sub3A_58 = arith.subf %sub3A_57, %add3A_51 : vector<1600x256xf32>
    %mul3A_59 = arith.mulf %sub3A_58, %tanh3A_56 : vector<1600x256xf32>
    %mul3A_60 = arith.mulf %add3A_51, %reshape3A : vector<1600x256xf32>
    %add3A_61 = arith.addf %mul3A_59, %mul3A_60 : vector<1600x256xf32>
    %get3A_62 = arith.constant 0 : index
    %get3A_63 = arith.constant 0 : index
    %get3A_64 = vector.load %arg7[%get3A_62, %get3A_63] : memref<256x256xf32, #tpu.memory_space<vmem>>, vector<256x256xf32>
    %dot_general3A_65 = arith.constant dense<0.000000e+00> : vector<1600x256xf32>
    %dot_general3A_66 = tpu.matmul %add3A_61, %get3A_64, %dot_general3A_65 {dimension_numbers = #tpu.dot_dimension_numbers<[1], [0], [0], [1], [0, 0, 1, 1], [], []>, transpose_lhs_hint = false} : vector<1600x256xf32>, vector<256x256xf32>, vector<1600x256xf32> -> vector<1600x256xf32>
    %get3A_67 = arith.constant 0 : index
    %get3A_68 = arith.constant 0 : index
    %get3A_69 = vector.load %arg8[%get3A_67, %get3A_68] : memref<1x256xf32, #tpu.memory_space<vmem>>, vector<1x256xf32>
    %get3A_70 = vector.shape_cast %get3A_69 : vector<1x256xf32> to vector<256xf32>
    %broadcast_in_dim3A_71 = vector.shape_cast %get3A_70 : vector<256xf32> to vector<1x256xf32>
    %add3A_72 = vector.broadcast %broadcast_in_dim3A_71 : vector<1x256xf32> to vector<1600x256xf32>
    %add3A_73 = arith.addf %dot_general3A_66, %add3A_72 : vector<1600x256xf32>
    %gt3A = arith.constant 0.000000e+00 : f32
    %gt3A_74 = vector.broadcast %gt3A : f32 to vector<1600x256xf32>
    %gt3A_75 = arith.cmpf ogt, %add3A_73, %gt3A_74 : vector<1600x256xf32>
    %min3A = arith.constant 0.000000e+00 : f32
    %min3A_76 = vector.broadcast %min3A : f32 to vector<1600x256xf32>
    %min3A_77 = arith.minimumf %add3A_73, %min3A_76 : vector<1600x256xf32>
    %exp3A = math.exp %min3A_77 : vector<1600x256xf32>
    %sub3A_78 = arith.constant 1.000000e+00 : f32
    %sub3A_79 = vector.broadcast %sub3A_78 : f32 to vector<1600x256xf32>
    %sub3A_80 = arith.subf %exp3A, %sub3A_79 : vector<1600x256xf32>
    %select_n3A = arith.select %gt3A_75, %add3A_73, %sub3A_80 : vector<1600x256xi1>, vector<1600x256xf32>
    %get3A_81 = arith.constant 0 : index
    %get3A_82 = arith.constant 0 : index
    %get3A_83 = vector.load %arg9[%get3A_81, %get3A_82] : memref<256x256xf32, #tpu.memory_space<vmem>>, vector<256x256xf32>
    %dot_general3A_84 = arith.constant dense<0.000000e+00> : vector<1600x256xf32>
    %dot_general3A_85 = tpu.matmul %select_n3A, %get3A_83, %dot_general3A_84 {dimension_numbers = #tpu.dot_dimension_numbers<[1], [0], [0], [1], [0, 0, 1, 1], [], []>, transpose_lhs_hint = false} : vector<1600x256xf32>, vector<256x256xf32>, vector<1600x256xf32> -> vector<1600x256xf32>
    %get3A_86 = arith.constant 0 : index
    %get3A_87 = arith.constant 0 : index
    %get3A_88 = vector.load %arg10[%get3A_86, %get3A_87] : memref<1x256xf32, #tpu.memory_space<vmem>>, vector<1x256xf32>
    %get3A_89 = vector.shape_cast %get3A_88 : vector<1x256xf32> to vector<256xf32>
    %broadcast_in_dim3A_90 = vector.shape_cast %get3A_89 : vector<256xf32> to vector<1x256xf32>
    %add3A_91 = vector.broadcast %broadcast_in_dim3A_90 : vector<1x256xf32> to vector<1600x256xf32>
    %add3A_92 = arith.addf %dot_general3A_85, %add3A_91 : vector<1600x256xf32>
    %gt3A_93 = arith.constant 0.000000e+00 : f32
    %gt3A_94 = vector.broadcast %gt3A_93 : f32 to vector<1600x256xf32>
    %gt3A_95 = arith.cmpf ogt, %add3A_92, %gt3A_94 : vector<1600x256xf32>
    %min3A_96 = arith.constant 0.000000e+00 : f32
    %min3A_97 = vector.broadcast %min3A_96 : f32 to vector<1600x256xf32>
    %min3A_98 = arith.minimumf %add3A_92, %min3A_97 : vector<1600x256xf32>
    %exp3A_99 = math.exp %min3A_98 : vector<1600x256xf32>
    %sub3A_100 = arith.constant 1.000000e+00 : f32
    %sub3A_101 = vector.broadcast %sub3A_100 : f32 to vector<1600x256xf32>
    %sub3A_102 = arith.subf %exp3A_99, %sub3A_101 : vector<1600x256xf32>
    %select_n3A_103 = arith.select %gt3A_95, %add3A_92, %sub3A_102 : vector<1600x256xi1>, vector<1600x256xf32>
    %reshape3A_104 = vector.shape_cast %select_n3A_103 : vector<1600x256xf32> to vector<4x400x256xf32>
    %reduce_sum3A = arith.constant dense<0.000000e+00> : vector<4x256xf32>
    %reduce_sum3A_105 = vector.multi_reduction <add>, %reshape3A_104, %reduce_sum3A [1] : vector<4x400x256xf32> to vector<4x256xf32>
    %get3A_106 = arith.constant 0 : index
    %get3A_107 = arith.constant 0 : index
    %get3A_108 = vector.load %arg11[%get3A_106, %get3A_107] : memref<256x256xf32, #tpu.memory_space<vmem>>, vector<256x256xf32>
    %dot_general3A_109 = arith.constant dense<0.000000e+00> : vector<4x256xf32>
    %dot_general3A_110 = tpu.matmul %reduce_sum3A_105, %get3A_108, %dot_general3A_109 {dimension_numbers = #tpu.dot_dimension_numbers<[1], [0], [0], [1], [0, 0, 1, 1], [], []>, transpose_lhs_hint = false} : vector<4x256xf32>, vector<256x256xf32>, vector<4x256xf32> -> vector<4x256xf32>
    %get3A_111 = arith.constant 0 : index
    %get3A_112 = arith.constant 0 : index
    %get3A_113 = vector.load %arg12[%get3A_111, %get3A_112] : memref<1x256xf32, #tpu.memory_space<vmem>>, vector<1x256xf32>
    %get3A_114 = vector.shape_cast %get3A_113 : vector<1x256xf32> to vector<256xf32>
    %broadcast_in_dim3A_115 = vector.shape_cast %get3A_114 : vector<256xf32> to vector<1x256xf32>
    %add3A_116 = vector.broadcast %broadcast_in_dim3A_115 : vector<1x256xf32> to vector<4x256xf32>
    %add3A_117 = arith.addf %dot_general3A_110, %add3A_116 : vector<4x256xf32>
    %gt3A_118 = arith.constant 0.000000e+00 : f32
    %gt3A_119 = vector.broadcast %gt3A_118 : f32 to vector<4x256xf32>
    %gt3A_120 = arith.cmpf ogt, %add3A_117, %gt3A_119 : vector<4x256xf32>
    %min3A_121 = arith.constant 0.000000e+00 : f32
    %min3A_122 = vector.broadcast %min3A_121 : f32 to vector<4x256xf32>
    %min3A_123 = arith.minimumf %add3A_117, %min3A_122 : vector<4x256xf32>
    %exp3A_124 = math.exp %min3A_123 : vector<4x256xf32>
    %sub3A_125 = arith.constant 1.000000e+00 : f32
    %sub3A_126 = vector.broadcast %sub3A_125 : f32 to vector<4x256xf32>
    %sub3A_127 = arith.subf %exp3A_124, %sub3A_126 : vector<4x256xf32>
    %select_n3A_128 = arith.select %gt3A_120, %add3A_117, %sub3A_127 : vector<4x256xi1>, vector<4x256xf32>
    %get3A_129 = arith.constant 0 : index
    %get3A_130 = arith.constant 0 : index
    %get3A_131 = vector.load %arg13[%get3A_129, %get3A_130] : memref<256x2xf32, #tpu.memory_space<vmem>>, vector<256x2xf32>
    %dot_general3A_132 = arith.constant dense<0.000000e+00> : vector<4x2xf32>
    %dot_general3A_133 = tpu.matmul %select_n3A_128, %get3A_131, %dot_general3A_132 {dimension_numbers = #tpu.dot_dimension_numbers<[1], [0], [0], [1], [0, 0, 1, 1], [], []>, transpose_lhs_hint = false} : vector<4x256xf32>, vector<256x2xf32>, vector<4x2xf32> -> vector<4x2xf32>
    %get3A_134 = arith.constant 0 : index
    %get3A_135 = arith.constant 0 : index
    %get3A_136 = vector.load %arg14[%get3A_134, %get3A_135] : memref<1x2xf32, #tpu.memory_space<vmem>>, vector<1x2xf32>
    %get3A_137 = vector.shape_cast %get3A_136 : vector<1x2xf32> to vector<2xf32>
    %broadcast_in_dim3A_138 = vector.shape_cast %get3A_137 : vector<2xf32> to vector<1x2xf32>
    %add3A_139 = vector.broadcast %broadcast_in_dim3A_138 : vector<1x2xf32> to vector<4x2xf32>
    %add3A_140 = arith.addf %dot_general3A_133, %add3A_139 : vector<4x2xf32>
    %reshape3A_141 = vector.shape_cast %add3A_140 : vector<4x2xf32> to vector<4x1x2xf32>
    %swap3A = arith.constant 0 : index
    %swap3A_142 = arith.constant 0 : index
    %swap3A_143 = arith.constant 0 : index
    %swap3A_144 = vector.load %arg15[%swap3A, %swap3A_142, %swap3A_143] : memref<4x1x2xf32, #tpu.memory_space<vmem>>, vector<4x1x2xf32>
    tpu.vector_store %arg15[%swap3A, %swap3A_142, %swap3A_143], %reshape3A_141 {strides = array<i32>} : memref<4x1x2xf32, #tpu.memory_space<vmem>>, vector<4x1x2xf32>,
    return
  }
  func.func @transform_0(%arg0: i32) -> (i32, i32, i32) {
    %c0_i32 = arith.constant 0 : i32
    %c0_i32_0 = arith.constant 0 : i32
    %c0_i32_1 = arith.constant 0 : i32
    return %arg0, %c0_i32, %c0_i32_0 : i32, i32, i32
  }
  func.func @transform_1(%arg0: i32) -> (i32, i32, i32) {
    %c0_i32 = arith.constant 0 : i32
    %c0_i32_0 = arith.constant 0 : i32
    %c0_i32_1 = arith.constant 0 : i32
    return %arg0, %c0_i32, %c0_i32_0 : i32, i32, i32
  }
  func.func @transform_2(%arg0: i32) -> (i32, i32) {
    %c0_i32 = arith.constant 0 : i32
    %c0_i32_0 = arith.constant 0 : i32
    %c0_i32_1 = arith.constant 0 : i32
    return %c0_i32, %c0_i32_0 : i32, i32
  }
  func.func @transform_3(%arg0: i32) -> (i32, i32) {
    %c0_i32 = arith.constant 0 : i32
    %c0_i32_0 = arith.constant 0 : i32
    %c0_i32_1 = arith.constant 0 : i32
    return %c0_i32, %c0_i32_0 : i32, i32
  }
  func.func @transform_4(%arg0: i32) -> (i32, i32) {
    %c0_i32 = arith.constant 0 : i32
    %c0_i32_0 = arith.constant 0 : i32
    %c0_i32_1 = arith.constant 0 : i32
    return %c0_i32, %c0_i32_0 : i32, i32
  }
  func.func @transform_5(%arg0: i32) -> (i32, i32) {
    %c0_i32 = arith.constant 0 : i32
    %c0_i32_0 = arith.constant 0 : i32
    %c0_i32_1 = arith.constant 0 : i32
    return %c0_i32, %c0_i32_0 : i32, i32
  }
  func.func @transform_6(%arg0: i32) -> (i32, i32) {
    %c0_i32 = arith.constant 0 : i32
    %c0_i32_0 = arith.constant 0 : i32
    %c0_i32_1 = arith.constant 0 : i32
    return %c0_i32, %c0_i32_0 : i32, i32
  }
  func.func @transform_7(%arg0: i32) -> (i32, i32) {
    %c0_i32 = arith.constant 0 : i32
    %c0_i32_0 = arith.constant 0 : i32
    %c0_i32_1 = arith.constant 0 : i32
    return %c0_i32, %c0_i32_0 : i32, i32
  }
  func.func @transform_8(%arg0: i32) -> (i32, i32) {
    %c0_i32 = arith.constant 0 : i32
    %c0_i32_0 = arith.constant 0 : i32
    %c0_i32_1 = arith.constant 0 : i32
    return %c0_i32, %c0_i32_0 : i32, i32
  }
  func.func @transform_9(%arg0: i32) -> (i32, i32) {
    %c0_i32 = arith.constant 0 : i32
    %c0_i32_0 = arith.constant 0 : i32
    %c0_i32_1 = arith.constant 0 : i32
    return %c0_i32, %c0_i32_0 : i32, i32
  }
  func.func @transform_10(%arg0: i32) -> (i32, i32) {
    %c0_i32 = arith.constant 0 : i32
    %c0_i32_0 = arith.constant 0 : i32
    %c0_i32_1 = arith.constant 0 : i32
    return %c0_i32, %c0_i32_0 : i32, i32
  }
  func.func @transform_11(%arg0: i32) -> (i32, i32) {
    %c0_i32 = arith.constant 0 : i32
    %c0_i32_0 = arith.constant 0 : i32
    %c0_i32_1 = arith.constant 0 : i32
    return %c0_i32, %c0_i32_0 : i32, i32
  }
  func.func @transform_12(%arg0: i32) -> (i32, i32) {
    %c0_i32 = arith.constant 0 : i32
    %c0_i32_0 = arith.constant 0 : i32
    %c0_i32_1 = arith.constant 0 : i32
    return %c0_i32, %c0_i32_0 : i32, i32
  }
  func.func @transform_13(%arg0: i32) -> (i32, i32) {
    %c0_i32 = arith.constant 0 : i32
    %c0_i32_0 = arith.constant 0 : i32
    %c0_i32_1 = arith.constant 0 : i32
    return %c0_i32, %c0_i32_0 : i32, i32
  }
  func.func @transform_14(%arg0: i32) -> (i32, i32, i32) {
    %c0_i32 = arith.constant 0 : i32
    %c0_i32_0 = arith.constant 0 : i32
    %c0_i32_1 = arith.constant 0 : i32
    return %arg0, %c0_i32, %c0_i32_0 : i32, i32, i32
  }
}

</mosaic_0001>

<sc_bundles>
// kernel: kernel.6.cloned.1.call-start
scs
__scs_entry_jumppad:
0x0: {  	(pc) =	sbr.rel $0x88, $3  }
0x1: {  	(tag) =	ssettag $0x0;
	lr =	simm.s32 $0x1  }
0x2: {  	[smem:$0x3F92] =	sst lr;
	_ =	strace $0xD0000000  }
0x3: {  	_ = 	snop  }
0x4: {  	_ = 	snop  }
0x5: {  	_ = 	snop  }
0x6: {  	_ = 	snop  }
0x7: {  	_ = 	snop  }
__scs_overlays_trampoline_lowered:
0x8: {  	[smem:$0x3FA1] =	sst s0  }
0x9: {  	[smem:$0x3FA2] =	sst s1  }
0xa: {  	[smem:$0x3FA3] =	sst s2  }
0xb: {  	[smem:$0x3FA4] =	sst s3  }
0xc: {  	[smem:$0x3FA5] =	sst s4  }
0xd: {  	[smem:$0x3FA6] =	sst s5  }
0xe: {  	[smem:$0x3FA7] =	sst s6  }
0xf: {  	[smem:$0x3FA8] =	sst s7  }
0x10: {  	[smem:$0x3FA9] =	sst s8  }
0x11: {  	[smem:$0x3FAA] =	sst s9;
	s0 =	simm.s32 @!p0 $0x0  }
0x12: {  	s1 =	sld [smem:$0x3F90];
	s0 =	simm.s32 @p0 $0x1  }
0x13: {  	[smem:$0x3FAB] =	sst s0;
	s0 =	simm.s32 @!p1 $0x0  }
0x14: {  	s2 =	sld [smem:$0x3F8F];
	s0 =	simm.s32 @p1 $0x1  }
0x15: {  	[smem:$0x3FAC] =	sst s0;
	s0 =	simm.s32 @!p2 $0x0  }
0x16: {  	s3 =	sld [smem:$0x3FDB];
	s0 =	simm.s32 @p2 $0x1  }
0x17: {  	s4 =	simm.s32 $0x1BF5;
	[smem:$0x3FAE] =	sst s0  }
0x18: {  	s0 =	sld [smem:$0x3F91];
	_ =	swait.ge [sflag:s4], $0x0  }
0x19: {  	s7 =	sld [smem:$0x3F92]  }
0x1a: {  	s8 =	sadd.s32 $0xFFFFE003, lr  }
0x1b: {  	s9 =	sadd.s32 $0xFFFFFEF7, lr;
	s5 =	simm.s32 $0xFFFFFFFF;
	p2 =	slt.u32 s8, $0xFFFFF086  }
0x1c: {  	p1 =	slt.u32 s9, $0xF7A;
	s5 =	simm.s32 @!p2 $0x0  }
0x1d: {  	s5 =	simm.s32 @p1 $0x1;
	p0 =	seq.s32 s7, s2  }
0x1e: {  	s7 =	smul.u32 @!p0 $0xF7A, s2;
	p2 =	seq.s32 @!p0 s5, $0x0  }
0x1f: {  	s9 =	smul.u32 $0xF7A, s1;
	s8 =	simm.s32 @!p0 $0x1BF5;
	p2 =	por !p2, p0  }
0x20: {  	[sflag:s8] =	ssyncset.s32 @!p0 $0xFFFFF086;
	s6 =	sadd.s32 @!p0 s3, s7;
	s7 =	simm.s32 @!p0 $0x108  }
0x21: {  	s3 =	sadd.s32 s3, s9;
	s6 =	sadd.s32 @!p0 $0x88, s6;
	s7 =	simm.s32 @p2 $0x1082  }
0x22: {  	[simem:s7], [sflag:s8] =	dma.local @!p0 [hbm:s6], $0xF7A  }
0x23: {  	s9 =	sor.u32 $0xD0000000, s2;
	s6 =	simm.s32 $0x108;
	_ =	swait.ge @!p0 [sflag:s8], $0x0  }
0x24: {  	s3 =	sadd.s32 $0x88, s3;
	s6 =	simm.s32 @!p1 $0x1082;
	[sflag:s4] =	ssyncset.s32 $0xFFFFF086  }
0x25: {  	[simem:s6], [sflag:s4] =	dma.local [hbm:s3], $0xF7A  }
0x26: {  	[smem:$0x3F92] =	sst s1;
	(tag) =	ssettag s2;
	_ =	strace s9  }
0x27: {  	s1 =	sld [smem:$0x3FA2]  }
0x28: {  	s2 =	sld [smem:$0x3FA3]  }
0x29: {  	s4 =	sld [smem:$0x3FA5]  }
0x2a: {  	p0 =	seq.s32 s5, $0x0;
	s5 =	sld [smem:$0x3FA6]  }
0x2b: {  	s6 =	sld [smem:$0x3FA7]  }
0x2c: {  	s7 =	sld [smem:$0x3FA8]  }
0x2d: {  	s3 =	simm.s32 $0x108;
	s8 =	sld [smem:$0x3FA9]  }
0x2e: {  	s3 =	simm.s32 @!p0 $0x1082;
	s9 =	sld [smem:$0x3FAA]  }
0x2f: {  	lr =	sadd.s32 s0, s3;
	s0 =	sld [smem:$0x3FA1]  }
0x30: {  	s3 =	sld [smem:$0x3FA4]  }
0x31: {  	[smem:$0x3FAD] =	sst s10  }
0x32: {  	s10 =	sld [smem:$0x3FAB];
	_ =	sdelay $0x3  }
0x33: {  	p0 =	seq.s32 s10, $0x1;
	s10 =	sld [smem:$0x3FAD];
	_ =	sdelay $0x3  }
0x34: {  	[smem:$0x3FAD] =	sst s10  }
0x35: {  	s10 =	sld [smem:$0x3FAC];
	_ =	sdelay $0x3  }
0x36: {  	p1 =	seq.s32 s10, $0x1;
	s10 =	sld [smem:$0x3FAD];
	_ =	sdelay $0x3  }
0x37: {  	[smem:$0x3FAD] =	sst s10  }
0x38: {  	s10 =	sld [smem:$0x3FAE]  }
0x39: {  	_ = 	snop;
	(pc) =	sbr.ind lr, $3  }
0x3a: {  	_ = 	snop  }
0x3b: {  	_ = 	snop  }
0x3c: {  	p2 =	seq.s32 s10, $0x1;
	s10 =	sld [smem:$0x3FAD]  }
0x3d: {  	_ =	shalt  }
0x3e: {  	_ =	shalt  }
0x3f: {  	_ =	shalt  }
0x40: {  	_ =	shalt  }
0x41: {  	_ =	shalt  }
0x42: {  	_ =	shalt  }
0x43: {  	_ =	shalt  }
0x44: {  	_ =	shalt  }
0x45: {  	_ =	shalt  }
0x46: {  	_ =	shalt  }
0x47: {  	_ =	shalt  }
0x48: {  	_ =	shalt  }
0x49: {  	_ =	shalt  }
0x4a: {  	_ =	shalt  }
0x4b: {  	_ =	shalt  }
0x4c: {  	_ =	shalt  }
0x4d: {  	_ =	shalt  }
0x4e: {  	_ =	shalt  }
0x4f: {  	_ =	shalt  }
0x50: {  	_ =	shalt  }
0x51: {  	_ =	shalt  }
0x52: {  	_ =	shalt  }
0x53: {  	_ =	shalt  }
0x54: {  	_ =	shalt  }
0x55: {  	_ =	shalt  }
0x56: {  	_ =	shalt  }
0x57: {  	_ =	shalt  }
0x58: {  	_ =	shalt  }
0x59: {  	_ =	shalt  }
0x5a: {  	_ =	shalt  }
0x5b: {  	_ =	shalt  }
0x5c: {  	_ =	shalt  }
0x5d: {  	_ =	shalt  }
0x5e: {  	_ =	shalt  }
0x5f: {  	_ =	shalt  }
0x60: {  	_ =	shalt  }
0x61: {  	_ =	shalt  }
0x62: {  	_ =	shalt  }
0x63: {  	_ =	shalt  }
0x64: {  	_ =	shalt  }
0x65: {  	_ =	shalt  }
0x66: {  	_ =	shalt  }
0x67: {  	_ =	shalt  }
0x68: {  	_ =	shalt  }
0x69: {  	_ =	shalt  }
0x6a: {  	_ =	shalt  }
0x6b: {  	_ =	shalt  }
0x6c: {  	_ =	shalt  }
0x6d: {  	_ =	shalt  }
0x6e: {  	_ =	shalt  }
0x6f: {  	_ =	shalt  }
0x70: {  	_ =	shalt  }
0x71: {  	_ =	shalt  }
0x72: {  	_ =	shalt  }
0x73: {  	_ =	shalt  }
0x74: {  	_ =	shalt  }
0x75: {  	_ =	shalt  }
0x76: {  	_ =	shalt  }
0x77: {  	_ =	shalt  }
0x78: {  	_ =	shalt  }
0x79: {  	_ =	shalt  }
0x7a: {  	_ =	shalt  }
0x7b: {  	_ =	shalt  }
0x7c: {  	_ =	shalt  }
0x7d: {  	_ =	shalt  }
0x7e: {  	_ =	shalt  }
0x7f: {  	_ =	shalt  }
0x80: {  	_ =	shalt  }
0x81: {  	_ =	shalt  }
0x82: {  	_ =	shalt  }
0x83: {  	_ =	shalt  }
0x84: {  	_ =	shalt  }
0x85: {  	_ =	shalt  }
0x86: {  	_ =	shalt  }
0x87: {  	_ =	shalt  }
.Lfunc_end0:
.L_simem_size_0:
called_computation_lowered:
.L_overlay_start_0:
0x88: {  	s2 =	sld [smem:$0x3FD9]  }
0x89: {  	s3 =	sld [smem:$0x3FFE];
	_ =	sdelay $0x1  }
0x8a: {  	s1 =	srdreg.scid  }
0x8b: {  	s0 =	sand.u32 $0x1, s1  }
0x8c: {  	s17 =	sshll.u32 s0, $0xA;
	s2 =	sadd.s32 s3, s2  }
0x8d: {  	s2 =	sadd.s32 s2, s17  }
0x8e: {  	[smem:$0x3FB9] =	sst s2  }
0x8f: {  	_ = 	snop  }
0x90: {  	s2 =	sld [smem:$0x3FC9];
	(tm) =	ssettm $0x1  }
0x91: {  	s18 =	sld [smem:$0x3FFB];
	_ =	sdelay $0x3  }
0x92: {  	_ =	strace s18  }
0x93: {  	s3 =	sld [smem:$0x3FFC];
	_ =	sdelay $0x3  }
0x94: {  	_ =	strace s3  }
0x95: {  	s3 =	sld [smem:$0x3FFD];
	_ =	sdelay $0x3  }
0x96: {  	_ =	strace s3  }
0x97: {  	_ =	strace $0x8FFFFFFF  }
0x98: {  	s19 =	sld [smem:$0x3FDB];
	_ =	sdelay $0x1  }
0x99: {  	s4 =	simm.s32 $_scs_section_size  }
0x9a: {  	s5 =	simm.s32 $_size__tile_overlayer_lowered;
	s6 =	simm.s32 $_tile_overlayer_lowered  }
0x9b: {  	s22 =	simm.s32 $0x1BFF;
	s21 =	sshll.u32 s6, $0x1;
	s3 =	sadd.s32 s4, s19  }
0x9c: {  	s7 =	simm.s32 $0x0;
	s20 =	sshll.u32 s5, $0x1;
	s5 =	sadd.s32 s21, s3  }
0x9d: {  	[timem:s7], [sflag:s22] =	dma.local [hbm:s5], s20  }
0x9e: {  	_ =	swait.ge [sflag:s22], s20  }
0x9f: {  	s4 =	ssub.s32 $0x0, s20;
	[sflag:s22] =	ssyncset.done $0x0  }
0xa0: {  	[sflag:s22] =	ssyncadd.s32 s4;
	_ =	sdelay $0x1  }
0xa1: {  	s23 =	simm.s32 $0x1B8B  }
0xa2: {  	_ =	swait.ge [sflag:s23], $0x1  }
0xa3: {  	[sflag:s23] =	ssyncset.done $0x0  }
0xa4: {  	s25 =	simm.s32 $0x1B8E;
	s24 =	sld [smem:$0x3FFE];
	[sflag:s23] =	ssyncadd.s32 $0xFFFFFFFF  }
0xa5: {  	s26 =	simm.s32 $execute0_lowered;
	[smem:$0x3FD2] =	sst s25  }
0xa6: {  	s5 =	sshll.u32 s26, $0x1;
	_ =	strace $0x80000046;
	[dreg:$0x1] =	wrdreg $0xFFFFFFFF  }
0xa7: {  	s28 =	simm.s32 $_size_execute0_lowered;
	s3 =	sadd.s32 s3, s5;
	[dreg:$0x0] =	wrdreg $0x0  }
0xa8: {  	s5 =	sshll.u32 s28, $0x1;
	[dreg:$0x2] =	wrdreg s3  }
0xa9: {  	[dreg:$0x3] =	wrdreg s5  }
0xaa: {  	[dreg:$0x4] =	wrdreg $0xC0  }
0xab: {  	_ =	task [dreg:s7], $0x5FFFF  }
0xac: {  	[dreg:$0x1] =	wrdreg $0xFFFFFFFF  }
0xad: {  	[dreg:$0x0] =	wrdreg $0x60  }
0xae: {  	[dreg:$0x2] =	wrdreg s2  }
0xaf: {  	[dreg:$0x3] =	wrdreg s24  }
0xb0: {  	[dreg:$0x4] =	wrdreg $0x9  }
0xb1: {  	_ =	task.clear_ibuf [dreg:s7], $0x5FFFF;
	_ =	strace $0x90000046  }
0xb2: {  	s29 =	simm.s32 $0x9;
	_ =	strace $0x80000048  }
0xb3: {  	_ =	swait.ge [sflag:s29], $0x1  }
0xb4: {  	[sflag:s29] =	ssyncadd.s32 $0xFFFFFFFF  }
0xb5: {  	_ =	strace $0x90000048  }
0xb6: {  	_ =	sfence  }
0xb7: {  	s30 =	sld [smem:$0x0];
	_ =	sdelay $0x2  }
0xb8: {  	s31 =	sshll.u32 s1, $0xD;
	s1 =	sshrl.u32 s1, $0x2  }
0xb9: {  	s3 =	sand.u32 $0x4000, s31;
	s1 =	sadd.s32 s1, s30  }
0xba: {  	s0 =	sor.u32 s3, s0;
	s1 =	sshll.u32 s1, $0x11  }
0xbb: {  	s0 =	sor.u32 s1, s0  }
0xbc: {  	s0 =	sadd.s32 $0x8F2B, s0  }
0xbd: {  	[sflag:s0] =	ssyncadd.remote.s32 $0x1  }
0xbe: {  	_ =	sfence.sel $0xFFFF  }
0xbf: {  	[dreg:$0x0] =	wrdreg $0xFFFFFFFF;
	(pc) =	sbr.abs _section_cstart, $3  }
0xc0: {  	[dreg:$0x1] =	wrdreg $0xFFFFFFFF  }
0xc1: {  	_ =	task.clear_ibuf [dreg:s7], $0x2FFFF;
	_ =	strace $0x9FFFFFFF  }
0xc2: {  	(tm) =	ssettm $0x7FFFFFFF  }
0xc3: {  	_ =	shalt  }
tec
execute0_lowered:
.L_overlay_start_1:
0x0: {  	(tag) =	ssettag $0x1  }
0x1: {  	s1 =	rddreg [dreg:$0x0]  }
0x2: {  	s0 =	rddreg [dreg:$0x1];
	s2 =	simm.s32 $0x0  }
0x3: {  	s25 =	srdreg.scid;
	s6 =	stileid.u32;
	s10 =	simm.s32 $0x2  }
0x4: {  	s13 =	simm.s32 $0x180;
	s22 =	simm.s32 $0x4980;
	s23 =	simm.s32 $0x5180  }
0x5: {  	s24 =	simm.s32 $0x5980;
	s28 =	simm.s32 $0x7180;
	s29 =	simm.s32 $0x7980  }
0x6: {  	s30 =	simm.s32 $0x8180;
	s31 =	simm.s32 $0x8980;
	s9 =	simm.s32 $0xA180  }
0x7: {  	s11 =	simm.s32 $0xB180;
	s12 =	simm.s32 $0xB980;
	s14 =	simm.s32 $0x1  }
0x8: {  	s16 =	simm.s32 $0x0;
	[smem:$0x7FF] =	sst s2;
	s4 =	sadd.s32 $0x5C00, s0  }
0x9: {  	s2 =	sand.u32 $0x1, s25;
	s5 =	sadd.s32 $0x4200, s0;
	s7 =	sshll.u32 s6, $0x1  }
0xa: {  	s6 =	sadd.s32 $0x2800, s0;
	s25 =	simm.s32 $0x6180;
	s3 =	ssub.s32 $0x2, s2  }
0xb: {  	_ =	strace $0x80000047;
	s2 =	sor.u32 s2, s7;
	s8 =	sshrl.u32 s3, $0x1  }
0xc: {  	v2 =	vlaneseq.u32;
	s7 =	sadd.s32 $0x7600, s0;
	s26 =	ssub.s32 s3, s8;
	s8 =	smul.u32 $0x640, s2  }
0xd: {  	vm0 =	vmmov $0xffff;
	v1 =	vshrl.u32 v2, $0x3;
	s3 =	simm.s32 $0x9980;
	s2 =	simm.s32 $0xA980;
	s0 =	smax.u32 s26, $0x1  }
0xe: {  	v0 =	vand.u32 $0x7, v2;
	v2 =	vor.u32 $0x8, v2;
	v1 =	vmul.u32 $0x8, v1;
	s26 =	simm.s32 $0x6980;
	[dreg:$0x3] =	wrdreg s0;
	s0 =	simm.s32 $0x9180  }
.LBB2_1:
0xf: {  	[dreg:$0x4] =	wrdreg s16;
	s15 =	simm.s32 $0x0  }
.LBB2_2:
0x10: {  	s16 =	sshll.u32 s15, $0x6  }
0x11: {  	s16 =	sadd.s32 s8, s16  }
0x12: {  	s18 =	sshrl.u32 s16, $0x3  }
0x13: {  	s17 =	simm.s32 $0x0;
	s19 =	sadd.s32 s4, s18  }
0x14: {  	[tilespmem:s17], [sflag:$0x2] =	stream.linear.gather [hbm4b:s19+s17], $0x40, $0x38;
	[tilespmem:$0xC180] =	vst v63  }
0x15: {  	_ =	swait.ge [sflag:s10], $0x40  }
0x16: {  	[sflag:s10] =	ssyncset.done $0x0  }
0x17: {  	s20 =	simm.s32 $0x80;
	s21 =	sadd.s32 s5, s18;
	[sflag:s10] =	ssyncadd.s32 $0xFFFFFFC0  }
0x18: {  	[tilespmem:s20], [sflag:$0x2] =	stream.linear.gather [hbm4b:s21+s17], $0x40, $0x38;
	[tilespmem:$0xC180] =	vst v63  }
0x19: {  	_ =	swait.ge [sflag:s10], $0x40  }
0x1a: {  	[sflag:s10] =	ssyncset.done $0x0  }
0x1b: {  	s18 =	sadd.s32 s6, s18;
	s20 =	simm.s32 $0x100;
	[sflag:s10] =	ssyncadd.s32 $0xFFFFFFC0  }
0x1c: {  	[tilespmem:s20], [sflag:$0x2] =	stream.linear.gather [hbm4b:s18+s17], $0x40, $0x38;
	[tilespmem:$0xC180] =	vst v63  }
0x1d: {  	_ =	swait.ge [sflag:s10], $0x40  }
0x1e: {  	[sflag:s10] =	ssyncset.done $0x0  }
0x1f: {  	[sflag:s10] =	ssyncadd.s32 $0xFFFFFFC0  }
0x20: {  	v3 =	vld [tilespmem:$0x0];
	_ =	sdelay $0x4  }
0x21: {  	v4 =	vshll.u32 v3, $0x1  }
0x22: {  	v3 =	vand.u32 $0x7, v3;
	v4 =	vand.u32 $0xFFFFFFF0, v4  }
0x23: {  	v3 =	vor.u32 v3, v4  }
0x24: {  	v4 =	vperm.xlane v3, v0;
	_ =	sdelay $0x1  }
0x25: {  	v3 =	vperm.xlane v3, v2;
	v4 =	vadd.s32 v1, v4;
	_ =	sdelay $0x1  }
0x26: {  	v3 =	vadd.s32 v1, v3;
	_ =	sdelay $0x2  }
0x27: {  	[tilespmem:s13], [sflag:$0x1] =	stream.indirect_vreg.gather [hbm4b:s1+s17], $0x80, v4, vm0, $0xb8;
	[tilespmem:$0xC180] =	vst v63  }
0x28: {  	s21 =	simm.s32 $0x980  }
0x29: {  	[tilespmem:s21], [sflag:$0x1] =	stream.indirect_vreg.gather [hbm4b:s1+s17], $0x80, v3, vm0, $0xb8;
	[tilespmem:$0xC180] =	vst v63  }
0x2a: {  	v3 =	vld [tilespmem:$0x10];
	_ =	sdelay $0x4  }
0x2b: {  	v4 =	vshll.u32 v3, $0x1  }
0x2c: {  	v3 =	vand.u32 $0x7, v3;
	v4 =	vand.u32 $0xFFFFFFF0, v4  }
0x2d: {  	v3 =	vor.u32 v3, v4  }
0x2e: {  	v4 =	vperm.xlane v3, v0;
	_ =	sdelay $0x1  }
0x2f: {  	v3 =	vperm.xlane v3, v2;
	v4 =	vadd.s32 v1, v4;
	_ =	sdelay $0x1  }
0x30: {  	v3 =	vadd.s32 v1, v3;
	_ =	sdelay $0x1  }
0x31: {  	s19 =	simm.s32 $0x1180  }
0x32: {  	[tilespmem:s19], [sflag:$0x1] =	stream.indirect_vreg.gather [hbm4b:s1+s17], $0x80, v4, vm0, $0xb8;
	[tilespmem:$0xC180] =	vst v63  }
0x33: {  	s20 =	simm.s32 $0x1980  }
0x34: {  	[tilespmem:s20], [sflag:$0x1] =	stream.indirect_vreg.gather [hbm4b:s1+s17], $0x80, v3, vm0, $0xb8;
	[tilespmem:$0xC180] =	vst v63  }
0x35: {  	v3 =	vld [tilespmem:$0x20];
	_ =	sdelay $0x4  }
0x36: {  	v4 =	vshll.u32 v3, $0x1  }
0x37: {  	v3 =	vand.u32 $0x7, v3;
	v4 =	vand.u32 $0xFFFFFFF0, v4  }
0x38: {  	v3 =	vor.u32 v3, v4  }
0x39: {  	v4 =	vperm.xlane v3, v0;
	_ =	sdelay $0x1  }
0x3a: {  	v3 =	vperm.xlane v3, v2;
	v4 =	vadd.s32 v1, v4;
	_ =	sdelay $0x1  }
0x3b: {  	v3 =	vadd.s32 v1, v3;
	_ =	sdelay $0x1  }
0x3c: {  	s21 =	simm.s32 $0x2180  }
0x3d: {  	[tilespmem:s21], [sflag:$0x1] =	stream.indirect_vreg.gather [hbm4b:s1+s17], $0x80, v4, vm0, $0xb8;
	[tilespmem:$0xC180] =	vst v63  }
0x3e: {  	s19 =	simm.s32 $0x2980  }
0x3f: {  	[tilespmem:s19], [sflag:$0x1] =	stream.indirect_vreg.gather [hbm4b:s1+s17], $0x80, v3, vm0, $0xb8;
	[tilespmem:$0xC180] =	vst v63  }
0x40: {  	v3 =	vld [tilespmem:$0x30];
	_ =	sdelay $0x4  }
0x41: {  	v4 =	vshll.u32 v3, $0x1  }
0x42: {  	v3 =	vand.u32 $0x7, v3;
	v4 =	vand.u32 $0xFFFFFFF0, v4  }
0x43: {  	v3 =	vor.u32 v3, v4  }
0x44: {  	v4 =	vperm.xlane v3, v0;
	_ =	sdelay $0x1  }
0x45: {  	v3 =	vperm.xlane v3, v2;
	v4 =	vadd.s32 v1, v4;
	_ =	sdelay $0x1  }
0x46: {  	v3 =	vadd.s32 v1, v3;
	_ =	sdelay $0x1  }
0x47: {  	s20 =	simm.s32 $0x3180  }
0x48: {  	[tilespmem:s20], [sflag:$0x1] =	stream.indirect_vreg.gather [hbm4b:s1+s17], $0x80, v4, vm0, $0xb8;
	[tilespmem:$0xC180] =	vst v63  }
0x49: {  	s21 =	simm.s32 $0x3980  }
0x4a: {  	[tilespmem:s21], [sflag:$0x1] =	stream.indirect_vreg.gather [hbm4b:s1+s17], $0x80, v3, vm0, $0xb8;
	[tilespmem:$0xC180] =	vst v63  }
0x4b: {  	v3 =	vld [tilespmem:$0x80];
	_ =	sdelay $0x4  }
0x4c: {  	v4 =	vshll.u32 v3, $0x1  }
0x4d: {  	v3 =	vand.u32 $0x7, v3;
	v4 =	vand.u32 $0xFFFFFFF0, v4  }
0x4e: {  	v3 =	vor.u32 v3, v4  }
0x4f: {  	v4 =	vperm.xlane v3, v0;
	_ =	sdelay $0x1  }
0x50: {  	v3 =	vperm.xlane v3, v2;
	v4 =	vadd.s32 v1, v4;
	_ =	sdelay $0x1  }
0x51: {  	v3 =	vadd.s32 v1, v3;
	_ =	sdelay $0x1  }
0x52: {  	s19 =	simm.s32 $0x4180  }
0x53: {  	[tilespmem:s19], [sflag:$0x1] =	stream.indirect_vreg.gather [hbm4b:s1+s17], $0x80, v4, vm0, $0xb8;
	[tilespmem:$0xC180] =	vst v63  }
0x54: {  	_ = 	snop  }
0x55: {  	[tilespmem:s22], [sflag:$0x1] =	stream.indirect_vreg.gather [hbm4b:s1+s17], $0x80, v3, vm0, $0xb8;
	[tilespmem:$0xC180] =	vst v63  }
0x56: {  	v3 =	vld [tilespmem:$0x90];
	_ =	sdelay $0x4  }
0x57: {  	v4 =	vshll.u32 v3, $0x1  }
0x58: {  	v3 =	vand.u32 $0x7, v3;
	v4 =	vand.u32 $0xFFFFFFF0, v4  }
0x59: {  	v3 =	vor.u32 v3, v4  }
0x5a: {  	v4 =	vperm.xlane v3, v0;
	_ =	sdelay $0x1  }
0x5b: {  	v3 =	vperm.xlane v3, v2;
	v4 =	vadd.s32 v1, v4;
	_ =	sdelay $0x1  }
0x5c: {  	v3 =	vadd.s32 v1, v3;
	_ =	sdelay $0x2  }
0x5d: {  	[tilespmem:s23], [sflag:$0x1] =	stream.indirect_vreg.gather [hbm4b:s1+s17], $0x80, v4, vm0, $0xb8;
	[tilespmem:$0xC180] =	vst v63  }
0x5e: {  	_ = 	snop  }
0x5f: {  	[tilespmem:s24], [sflag:$0x1] =	stream.indirect_vreg.gather [hbm4b:s1+s17], $0x80, v3, vm0, $0xb8;
	[tilespmem:$0xC180] =	vst v63  }
0x60: {  	v3 =	vld [tilespmem:$0xA0];
	_ =	sdelay $0x4  }
0x61: {  	v4 =	vshll.u32 v3, $0x1  }
0x62: {  	v3 =	vand.u32 $0x7, v3;
	v4 =	vand.u32 $0xFFFFFFF0, v4  }
0x63: {  	v3 =	vor.u32 v3, v4  }
0x64: {  	v4 =	vperm.xlane v3, v0;
	_ =	sdelay $0x1  }
0x65: {  	v3 =	vperm.xlane v3, v2;
	v4 =	vadd.s32 v1, v4;
	_ =	sdelay $0x1  }
0x66: {  	v3 =	vadd.s32 v1, v3;
	_ =	sdelay $0x2  }
0x67: {  	[tilespmem:s25], [sflag:$0x1] =	stream.indirect_vreg.gather [hbm4b:s1+s17], $0x80, v4, vm0, $0xb8;
	[tilespmem:$0xC180] =	vst v63  }
0x68: {  	_ = 	snop  }
0x69: {  	[tilespmem:s26], [sflag:$0x1] =	stream.indirect_vreg.gather [hbm4b:s1+s17], $0x80, v3, vm0, $0xb8;
	[tilespmem:$0xC180] =	vst v63  }
0x6a: {  	v3 =	vld [tilespmem:$0xB0];
	_ =	sdelay $0x4  }
0x6b: {  	v4 =	vshll.u32 v3, $0x1  }
0x6c: {  	v3 =	vand.u32 $0x7, v3;
	v4 =	vand.u32 $0xFFFFFFF0, v4  }
0x6d: {  	v3 =	vor.u32 v3, v4  }
0x6e: {  	v4 =	vperm.xlane v3, v0;
	_ =	sdelay $0x1  }
0x6f: {  	v3 =	vperm.xlane v3, v2;
	v4 =	vadd.s32 v1, v4;
	_ =	sdelay $0x1  }
0x70: {  	v3 =	vadd.s32 v1, v3;
	_ =	sdelay $0x2  }
0x71: {  	[tilespmem:s28], [sflag:$0x1] =	stream.indirect_vreg.gather [hbm4b:s1+s17], $0x80, v4, vm0, $0xb8;
	[tilespmem:$0xC180] =	vst v63  }
0x72: {  	_ = 	snop  }
0x73: {  	[tilespmem:s29], [sflag:$0x1] =	stream.indirect_vreg.gather [hbm4b:s1+s17], $0x80, v3, vm0, $0xb8;
	[tilespmem:$0xC180] =	vst v63  }
0x74: {  	v3 =	vld [tilespmem:$0x100];
	_ =	sdelay $0x4  }
0x75: {  	v4 =	vshll.u32 v3, $0x1  }
0x76: {  	v3 =	vand.u32 $0x7, v3;
	v4 =	vand.u32 $0xFFFFFFF0, v4  }
0x77: {  	v3 =	vor.u32 v3, v4  }
0x78: {  	v4 =	vperm.xlane v3, v0;
	_ =	sdelay $0x1  }
0x79: {  	v3 =	vperm.xlane v3, v2;
	v4 =	vadd.s32 v1, v4;
	_ =	sdelay $0x1  }
0x7a: {  	v3 =	vadd.s32 v1, v3;
	_ =	sdelay $0x2  }
0x7b: {  	[tilespmem:s30], [sflag:$0x1] =	stream.indirect_vreg.gather [hbm4b:s1+s17], $0x80, v4, vm0, $0xb8;
	[tilespmem:$0xC180] =	vst v63  }
0x7c: {  	_ = 	snop  }
0x7d: {  	[tilespmem:s31], [sflag:$0x1] =	stream.indirect_vreg.gather [hbm4b:s1+s17], $0x80, v3, vm0, $0xb8;
	[tilespmem:$0xC180] =	vst v63  }
0x7e: {  	v3 =	vld [tilespmem:$0x110];
	_ =	sdelay $0x4  }
0x7f: {  	v4 =	vshll.u32 v3, $0x1  }
0x80: {  	v3 =	vand.u32 $0x7, v3;
	v4 =	vand.u32 $0xFFFFFFF0, v4  }
0x81: {  	v3 =	vor.u32 v3, v4  }
0x82: {  	v4 =	vperm.xlane v3, v0;
	_ =	sdelay $0x1  }
0x83: {  	v3 =	vperm.xlane v3, v2;
	v4 =	vadd.s32 v1, v4;
	_ =	sdelay $0x1  }
0x84: {  	v3 =	vadd.s32 v1, v3;
	_ =	sdelay $0x2  }
0x85: {  	[tilespmem:s0], [sflag:$0x1] =	stream.indirect_vreg.gather [hbm4b:s1+s17], $0x80, v4, vm0, $0xb8;
	[tilespmem:$0xC180] =	vst v63  }
0x86: {  	_ = 	snop  }
0x87: {  	[tilespmem:s3], [sflag:$0x1] =	stream.indirect_vreg.gather [hbm4b:s1+s17], $0x80, v3, vm0, $0xb8;
	[tilespmem:$0xC180] =	vst v63  }
0x88: {  	v3 =	vld [tilespmem:$0x120];
	_ =	sdelay $0x4  }
0x89: {  	v4 =	vshll.u32 v3, $0x1  }
0x8a: {  	v3 =	vand.u32 $0x7, v3;
	v4 =	vand.u32 $0xFFFFFFF0, v4  }
0x8b: {  	v3 =	vor.u32 v3, v4  }
0x8c: {  	v4 =	vperm.xlane v3, v0;
	_ =	sdelay $0x1  }
0x8d: {  	v3 =	vperm.xlane v3, v2;
	v4 =	vadd.s32 v1, v4;
	_ =	sdelay $0x1  }
0x8e: {  	v3 =	vadd.s32 v1, v3;
	_ =	sdelay $0x2  }
0x8f: {  	[tilespmem:s9], [sflag:$0x1] =	stream.indirect_vreg.gather [hbm4b:s1+s17], $0x80, v4, vm0, $0xb8;
	[tilespmem:$0xC180] =	vst v63  }
0x90: {  	_ = 	snop  }
0x91: {  	[tilespmem:s2], [sflag:$0x1] =	stream.indirect_vreg.gather [hbm4b:s1+s17], $0x80, v3, vm0, $0xb8;
	[tilespmem:$0xC180] =	vst v63  }
0x92: {  	v3 =	vld [tilespmem:$0x130];
	_ =	sdelay $0x4  }
0x93: {  	v4 =	vshll.u32 v3, $0x1  }
0x94: {  	v3 =	vand.u32 $0x7, v3;
	v4 =	vand.u32 $0xFFFFFFF0, v4  }
0x95: {  	v3 =	vor.u32 v3, v4  }
0x96: {  	v4 =	vperm.xlane v3, v0;
	_ =	sdelay $0x1  }
0x97: {  	v3 =	vperm.xlane v3, v2;
	v4 =	vadd.s32 v1, v4;
	_ =	sdelay $0x1  }
0x98: {  	v3 =	vadd.s32 v1, v3;
	_ =	sdelay $0x2  }
0x99: {  	[tilespmem:s11], [sflag:$0x1] =	stream.indirect_vreg.gather [hbm4b:s1+s17], $0x80, v4, vm0, $0xb8;
	[tilespmem:$0xC180] =	vst v63  }
0x9a: {  	_ = 	snop  }
0x9b: {  	[tilespmem:s12], [sflag:$0x1] =	stream.indirect_vreg.gather [hbm4b:s1+s17], $0x80, v3, vm0, $0xb8;
	[tilespmem:$0xC180] =	vst v63  }
0x9c: {  	_ =	swait.ge [sflag:s14], $0x4000  }
0x9d: {  	[sflag:s14] =	ssyncset.done $0x0  }
0x9e: {  	[sflag:s14] =	ssyncadd.s32 $0xFFFFC000  }
0x9f: {  	_ =	swait.ge [sflag:s14], $0x4000  }
0xa0: {  	[sflag:s14] =	ssyncset.done $0x0  }
0xa1: {  	[sflag:s14] =	ssyncadd.s32 $0xFFFFC000  }
0xa2: {  	_ =	swait.ge [sflag:s14], $0x4000  }
0xa3: {  	s20 =	sand.u32 $0x3800, s17;
	s21 =	sand.u32 $0x380, s17;
	[sflag:s14] =	ssyncset.done $0x0  }
0xa4: {  	s18 =	sor.u32 s21, s20;
	[sflag:s14] =	ssyncadd.s32 $0xFFFFC000  }
0xa5: {  	v17 =	vld [tilespmem:s18+$0x8180]  }
0xa6: {  	v18 =	vld [tilespmem:s18+$0x8190]  }
0xa7: {  	v19 =	vld [tilespmem:s18+$0x81A0]  }
0xa8: {  	v21 =	vld [tilespmem:s18+$0x81B0]  }
0xa9: {  	v22 =	vld [tilespmem:s18+$0x81C0]  }
0xaa: {  	v23 =	vld [tilespmem:s18+$0x81D0]  }
0xab: {  	v24 =	vld [tilespmem:s18+$0x81E0]  }
0xac: {  	v9 =	vld [tilespmem:s18+$0x81F0]  }
0xad: {  	v8 =	vld [tilespmem:s18+$0x8580]  }
0xae: {  	v7 =	vld [tilespmem:s18+$0x8590]  }
0xaf: {  	v6 =	vld [tilespmem:s18+$0x85A0]  }
0xb0: {  	v5 =	vld [tilespmem:s18+$0x85B0]  }
0xb1: {  	v4 =	vld [tilespmem:s18+$0x85C0]  }
0xb2: {  	v3 =	vld [tilespmem:s18+$0x85D0]  }
0xb3: {  	v20 =	vld [tilespmem:s18+$0x4180]  }
0xb4: {  	v25 =	vld [tilespmem:s18+$0x4190]  }
0xb5: {  	v26 =	vld [tilespmem:s18+$0x41A0]  }
0xb6: {  	v27 =	vld [tilespmem:s18+$0x41B0]  }
0xb7: {  	v28 =	vld [tilespmem:s18+$0x41C0]  }
0xb8: {  	v29 =	vld [tilespmem:s18+$0x41D0]  }
0xb9: {  	v30 =	vld [tilespmem:s18+$0x41E0]  }
0xba: {  	v31 =	vld [tilespmem:s18+$0x41F0]  }
0xbb: {  	v32 =	vld [tilespmem:s18+$0x4580]  }
0xbc: {  	v16 =	vld [tilespmem:s18+$0x4590]  }
0xbd: {  	v15 =	vld [tilespmem:s18+$0x45A0]  }
0xbe: {  	v14 =	vld [tilespmem:s18+$0x45B0]  }
0xbf: {  	v13 =	vld [tilespmem:s18+$0x45C0]  }
0xc0: {  	v12 =	vld [tilespmem:s18+$0x45D0]  }
0xc1: {  	v11 =	vld [tilespmem:s18+$0x45E0]  }
0xc2: {  	v10 =	vld [tilespmem:s18+$0x45F0]  }
0xc3: {  	v33 =	vld [tilespmem:s18+$0x180]  }
0xc4: {  	v34 =	vld [tilespmem:s18+$0x190]  }
0xc5: {  	v35 =	vld [tilespmem:s18+$0x1A0]  }
0xc6: {  	v36 =	vld [tilespmem:s18+$0x1B0]  }
0xc7: {  	v37 =	vld [tilespmem:s18+$0x1C0]  }
0xc8: {  	v60 =	vld [tilespmem:s18+$0x1D0];
	v20 =	vadd.f32 v20, v33  }
0xc9: {  	v61 =	vld [tilespmem:s18+$0x1E0];
	v25 =	vadd.f32 v25, v34  }
0xca: {  	v17 =	vadd.f32 v17, v20;
	v20 =	vadd.f32 v26, v35;
	v26 =	vld [tilespmem:s18+$0x1F0]  }
0xcb: {  	v18 =	vadd.f32 v18, v25;
	v25 =	vadd.f32 v27, v36;
	v27 =	vld [tilespmem:s18+$0x580]  }
0xcc: {  	[tilespmem:s18+$0x180] =	vst v17;
	v17 =	vadd.f32 v19, v20;
	v19 =	vadd.f32 v28, v37;
	v20 =	vld [tilespmem:s18+$0x590]  }
0xcd: {  	v62 =	vadd.f32 v29, v60;
	[tilespmem:s18+$0x190] =	vst v18;
	v25 =	vadd.f32 v21, v25;
	v21 =	vld [tilespmem:s18+$0x5A0]  }
0xce: {  	v63 =	vadd.f32 v30, v61;
	v18 =	vld [tilespmem:s18+$0x5B0];
	[tilespmem:s18+$0x1A0] =	vst v17;
	v17 =	vadd.f32 v22, v19  }
0xcf: {  	[tilespmem:s18+$0x1B0] =	vst v25;
	v22 =	vadd.f32 v23, v62;
	v19 =	vld [tilespmem:s18+$0x5C0];
	v23 =	vadd.f32 v31, v26  }
0xd0: {  	s19 =	simm.s32 $0x100;
	v25 =	vadd.f32 v24, v63;
	v24 =	vadd.f32 v32, v27;
	[tilespmem:s18+$0x1C0] =	vst v17;
	v17 =	vld [tilespmem:s18+$0x5D0]  }
.LBB2_3:
0xd1: {  	p0 =	sne.s32 s19, $0x3F00;
	[tilespmem:s18+$0x1D0] =	vst v22;
	v9 =	vadd.f32 v9, v23;
	v16 =	vadd.f32 v16, v20;
	v20 =	vld [tilespmem:s18+$0x5E0]  }
0xd2: {  	s17 =	sadd.s32 $0x80, s17;
	[tilespmem:s18+$0x1E0] =	vst v25;
	v8 =	vadd.f32 v8, v24;
	v15 =	vadd.f32 v15, v21;
	v21 =	vld [tilespmem:s18+$0x5F0]  }
0xd3: {  	s20 =	sand.u32 $0x3800, s19;
	s21 =	sand.u32 $0x380, s17;
	[tilespmem:s18+$0x1F0] =	vst v9;
	v7 =	vadd.f32 v7, v16;
	v9 =	vadd.f32 v14, v18;
	v14 =	vld [tilespmem:s18+$0x85E0]  }
0xd4: {  	s20 =	sor.u32 s21, s20;
	[tilespmem:s18+$0x580] =	vst v8;
	v6 =	vadd.f32 v6, v15;
	v8 =	vadd.f32 v13, v19;
	v13 =	vld [tilespmem:s18+$0x85F0]  }
0xd5: {  	v18 =	vld [tilespmem:s20+$0x8180];
	[tilespmem:s18+$0x590] =	vst v7;
	v5 =	vadd.f32 v5, v9;
	v7 =	vadd.f32 v12, v17  }
0xd6: {  	v17 =	vld [tilespmem:s20+$0x8190];
	[tilespmem:s18+$0x5A0] =	vst v6;
	v4 =	vadd.f32 v4, v8;
	v6 =	vadd.f32 v11, v20  }
0xd7: {  	v19 =	vld [tilespmem:s20+$0x81A0];
	[tilespmem:s18+$0x5B0] =	vst v5;
	v3 =	vadd.f32 v3, v7;
	v5 =	vadd.f32 v10, v21  }
0xd8: {  	v21 =	vld [tilespmem:s20+$0x81B0];
	[tilespmem:s18+$0x5C0] =	vst v4;
	v4 =	vadd.f32 v14, v6  }
0xd9: {  	v22 =	vld [tilespmem:s20+$0x81C0];
	[tilespmem:s18+$0x5D0] =	vst v3;
	v3 =	vadd.f32 v13, v5  }
0xda: {  	v23 =	vld [tilespmem:s20+$0x81D0];
	[tilespmem:s18+$0x5E0] =	vst v4  }
0xdb: {  	v24 =	vld [tilespmem:s20+$0x81E0];
	[tilespmem:s18+$0x5F0] =	vst v3;
	s18 =	smov.u32 s20  }
0xdc: {  	v9 =	vld [tilespmem:s18+$0x81F0]  }
0xdd: {  	v8 =	vld [tilespmem:s18+$0x8580]  }
0xde: {  	v7 =	vld [tilespmem:s18+$0x8590]  }
0xdf: {  	v6 =	vld [tilespmem:s18+$0x85A0]  }
0xe0: {  	v5 =	vld [tilespmem:s18+$0x85B0]  }
0xe1: {  	v4 =	vld [tilespmem:s18+$0x85C0]  }
0xe2: {  	v3 =	vld [tilespmem:s18+$0x85D0]  }
0xe3: {  	v20 =	vld [tilespmem:s18+$0x4180]  }
0xe4: {  	v25 =	vld [tilespmem:s18+$0x4190]  }
0xe5: {  	v26 =	vld [tilespmem:s18+$0x41A0]  }
0xe6: {  	v27 =	vld [tilespmem:s18+$0x41B0]  }
0xe7: {  	v28 =	vld [tilespmem:s18+$0x41C0]  }
0xe8: {  	v29 =	vld [tilespmem:s18+$0x41D0]  }
0xe9: {  	v30 =	vld [tilespmem:s18+$0x41E0]  }
0xea: {  	v31 =	vld [tilespmem:s18+$0x41F0]  }
0xeb: {  	v32 =	vld [tilespmem:s18+$0x4580]  }
0xec: {  	v16 =	vld [tilespmem:s18+$0x4590]  }
0xed: {  	v15 =	vld [tilespmem:s18+$0x45A0]  }
0xee: {  	v14 =	vld [tilespmem:s18+$0x45B0]  }
0xef: {  	v13 =	vld [tilespmem:s18+$0x45C0]  }
0xf0: {  	v12 =	vld [tilespmem:s18+$0x45D0]  }
0xf1: {  	v11 =	vld [tilespmem:s18+$0x45E0]  }
0xf2: {  	v10 =	vld [tilespmem:s18+$0x45F0]  }
0xf3: {  	v33 =	vld [tilespmem:s18+$0x180]  }
0xf4: {  	v34 =	vld [tilespmem:s18+$0x190]  }
0xf5: {  	v35 =	vld [tilespmem:s18+$0x1A0]  }
0xf6: {  	v36 =	vld [tilespmem:s18+$0x1B0]  }
0xf7: {  	v37 =	vld [tilespmem:s18+$0x1C0]  }
0xf8: {  	v20 =	vadd.f32 v20, v33;
	v33 =	vld [tilespmem:s18+$0x1D0]  }
0xf9: {  	v25 =	vadd.f32 v25, v34;
	v34 =	vld [tilespmem:s18+$0x1E0]  }
0xfa: {  	v18 =	vadd.f32 v18, v20;
	v20 =	vadd.f32 v26, v35;
	v26 =	vld [tilespmem:s18+$0x1F0]  }
0xfb: {  	v17 =	vadd.f32 v17, v25;
	v25 =	vadd.f32 v27, v36;
	v27 =	vld [tilespmem:s18+$0x580]  }
.Ltmp0:
0xfc: {  	[tilespmem:s18+$0x180] =	vst v18;
	v18 =	vadd.f32 v19, v20;
	v19 =	vadd.f32 v28, v37;
	v20 =	vld [tilespmem:s18+$0x590];
	(pc) =	sbr.rel @p0 .LBB2_3-.Ltmp0, $4  }
0xfd: {  	[tilespmem:s18+$0x190] =	vst v17;
	v17 =	vadd.f32 v21, v25;
	v25 =	vadd.f32 v29, v33;
	v21 =	vld [tilespmem:s18+$0x5A0]  }
0xfe: {  	[tilespmem:s18+$0x1A0] =	vst v18;
	v28 =	vadd.f32 v22, v19;
	v29 =	vadd.f32 v30, v34;
	v18 =	vld [tilespmem:s18+$0x5B0]  }
0xff: {  	[tilespmem:s18+$0x1B0] =	vst v17;
	v22 =	vadd.f32 v23, v25;
	v23 =	vadd.f32 v31, v26;
	v19 =	vld [tilespmem:s18+$0x5C0]  }
0x100: {  	s19 =	sadd.s32 $0x100, s19;
	[tilespmem:s18+$0x1C0] =	vst v28;
	v25 =	vadd.f32 v24, v29;
	v24 =	vadd.f32 v32, v27;
	v17 =	vld [tilespmem:s18+$0x5D0]  }
0x101: {  	[tilespmem:s18+$0x1D0] =	vst v22;
	v9 =	vadd.f32 v9, v23;
	v54 =	vld [tilespmem:s18+$0x5E0];
	v16 =	vadd.f32 v16, v20  }
0x102: {  	v55 =	vld [tilespmem:s18+$0x5F0];
	[tilespmem:s18+$0x1E0] =	vst v25;
	v8 =	vadd.f32 v8, v24;
	v56 =	vadd.f32 v15, v21  }
0x103: {  	v57 =	vld [tilespmem:s18+$0x85E0];
	[tilespmem:s18+$0x1F0] =	vst v9;
	v7 =	vadd.f32 v7, v16;
	v14 =	vadd.f32 v14, v18  }
0x104: {  	v59 =	vld [tilespmem:s18+$0x85F0];
	[tilespmem:s18+$0x580] =	vst v8;
	v6 =	vadd.f32 v6, v56;
	v58 =	vadd.f32 v13, v19  }
0x105: {  	[tilespmem:s18+$0x590] =	vst v7;
	v5 =	vadd.f32 v5, v14;
	v60 =	vadd.f32 v12, v17  }
0x106: {  	[tilespmem:s18+$0x5A0] =	vst v6;
	v4 =	vadd.f32 v4, v58;
	v61 =	vadd.f32 v11, v54  }
0x107: {  	v62 =	vadd.f32 v10, v55;
	[tilespmem:s18+$0x5B0] =	vst v5;
	v3 =	vadd.f32 v3, v60  }
0x108: {  	[tilespmem:s18+$0x5C0] =	vst v4;
	v63 =	vadd.f32 v57, v61  }
0x109: {  	s15 =	sadd.s32 $0x1, s15;
	[tilespmem:s18+$0x5D0] =	vst v3;
	v3 =	vadd.f32 v59, v62  }
0x10a: {  	s16 =	sshll.u32 s16, $0x5;
	p0 =	sne.s32 s15, $0x19;
	[tilespmem:s18+$0x5E0] =	vst v63  }
.Ltmp1:
0x10b: {  	s17 =	simm.s32 $0x0;
	s16 =	sadd.s32 s7, s16;
	[tilespmem:s18+$0x5F0] =	vst v3;
	(pc) =	sbr.rel @p0 .LBB2_2-.Ltmp1, $4  }
0x10c: {  	[hbm4b:s16+s17] =	stream.linear.scatter [tilespmem:s13], [sflag:$0x2], $0x4000, $0x38;
	[tilespmem:$0xC180] =	vst v63  }
0x10d: {  	_ =	swait.ge [sflag:s10], $0x4000  }
0x10e: {  	[sflag:s10] =	ssyncset.done $0x0  }
0x10f: {  	[sflag:s10] =	ssyncadd.s32 $0xFFFFC000  }
0x110: {  	s16 =	rddreg [dreg:$0x4]  }
0x111: {  	s15 =	rddreg [dreg:$0x3];
	s16 =	sadd.s32 $0x1, s16  }
0x112: {  	p0 =	sne.s32 s16, s15  }
.Ltmp2:
0x113: {  	_ = 	snop;
	(pc) =	sbr.rel @p0 .LBB2_1-.Ltmp2, $1  }
0x114: {  	_ =	sdelay $0x3  }
0x115: {  	_ =	sfence.sel $0x180000  }
0x116: {  	[bflag:$0x0] =	sbarrier.arrive $0xFFFF  }
0x117: {  	_ =	strace $0x90000047  }
0x118: {  	s0 =	stileid.u32;
	[bflag:$0x2] =	sbarrier.arrive $0xFFFF  }
0x119: {  	p0 =	sne.s32 s0, $0x0;
	s0 =	rddreg [dreg:$0x2]  }
0x11a: {  	s0 =	sadd.s32 @!p0 $0x100000, s0  }
0x11b: {  	[sflag:s0] =	ssyncadd.tile.s32 @!p0 $0x1;
	_ =	shalt  }
.Lfunc_end2:
_tile_overlayer_lowered:
.L_overlay_start_2:
0x11c: {  	(tag) =	ssettag $0x2  }
0x11d: {  	s0 =	rddreg [dreg:$0x0];
	s2 =	stileid.u32  }
0x11e: {  	s1 =	rddreg [dreg:$0x1];
	p0 =	sne.s32 s2, $0x0  }
0x11f: {  	s3 =	rddreg [dreg:$0x2];
	[bflag:$0x3] =	sbarrier.arrive $0xFFFF;
	s2 =	simm.s32 @!p0 $0x1C02  }
0x120: {  	[timem:s3], [sflag:s2] =	dma.local @!p0 [hbm:s0], s1  }
0x121: {  	s0 =	simm.s32 @!p0 $0x2  }
0x122: {  	_ =	swait.ge @!p0 [sflag:s0], s1  }
0x123: {  	s1 =	ssub.s32 @!p0 $0x0, s1;
	[sflag:s0] =	ssyncset.done @!p0 $0x0  }
0x124: {  	[sflag:s0] =	ssyncadd.s32 @!p0 s1  }
0x125: {  	[bflag:$0x3] =	sbarrier.arrive $0xFFFF  }
0x126: {  	_ =	shalt  }

// kernel: kernel.9.cloned.1.call-start
scs
__scs_entry_jumppad:
0x0: {  	(pc) =	sbr.rel $0x88, $3  }
0x1: {  	(tag) =	ssettag $0x0;
	lr =	simm.s32 $0x1  }
0x2: {  	[smem:$0x3F92] =	sst lr;
	_ =	strace $0xD0000000  }
0x3: {  	_ = 	snop  }
0x4: {  	_ = 	snop  }
0x5: {  	_ = 	snop  }
0x6: {  	_ = 	snop  }
0x7: {  	_ = 	snop  }
__scs_overlays_trampoline_lowered:
0x8: {  	[smem:$0x3FA1] =	sst s0  }
0x9: {  	[smem:$0x3FA2] =	sst s1  }
0xa: {  	[smem:$0x3FA3] =	sst s2  }
0xb: {  	[smem:$0x3FA4] =	sst s3  }
0xc: {  	[smem:$0x3FA5] =	sst s4  }
0xd: {  	[smem:$0x3FA6] =	sst s5  }
0xe: {  	[smem:$0x3FA7] =	sst s6  }
0xf: {  	[smem:$0x3FA8] =	sst s7  }
0x10: {  	[smem:$0x3FA9] =	sst s8  }
0x11: {  	[smem:$0x3FAA] =	sst s9;
	s0 =	simm.s32 @!p0 $0x0  }
0x12: {  	s1 =	sld [smem:$0x3F90];
	s0 =	simm.s32 @p0 $0x1  }
0x13: {  	[smem:$0x3FAB] =	sst s0;
	s0 =	simm.s32 @!p1 $0x0  }
0x14: {  	s2 =	sld [smem:$0x3F8F];
	s0 =	simm.s32 @p1 $0x1  }
0x15: {  	[smem:$0x3FAC] =	sst s0;
	s0 =	simm.s32 @!p2 $0x0  }
0x16: {  	s3 =	sld [smem:$0x3FDB];
	s0 =	simm.s32 @p2 $0x1  }
0x17: {  	s4 =	simm.s32 $0x1BF5;
	[smem:$0x3FAE] =	sst s0  }
0x18: {  	s0 =	sld [smem:$0x3F91];
	_ =	swait.ge [sflag:s4], $0x0  }
0x19: {  	s7 =	sld [smem:$0x3F92]  }
0x1a: {  	s8 =	sadd.s32 $0xFFFFE003, lr  }
0x1b: {  	s9 =	sadd.s32 $0xFFFFFEF7, lr;
	s5 =	simm.s32 $0xFFFFFFFF;
	p2 =	slt.u32 s8, $0xFFFFF086  }
0x1c: {  	p1 =	slt.u32 s9, $0xF7A;
	s5 =	simm.s32 @!p2 $0x0  }
0x1d: {  	s5 =	simm.s32 @p1 $0x1;
	p0 =	seq.s32 s7, s2  }
0x1e: {  	s7 =	smul.u32 @!p0 $0xF7A, s2;
	p2 =	seq.s32 @!p0 s5, $0x0  }
0x1f: {  	s9 =	smul.u32 $0xF7A, s1;
	s8 =	simm.s32 @!p0 $0x1BF5;
	p2 =	por !p2, p0  }
0x20: {  	[sflag:s8] =	ssyncset.s32 @!p0 $0xFFFFF086;
	s6 =	sadd.s32 @!p0 s3, s7;
	s7 =	simm.s32 @!p0 $0x108  }
0x21: {  	s3 =	sadd.s32 s3, s9;
	s6 =	sadd.s32 @!p0 $0x88, s6;
	s7 =	simm.s32 @p2 $0x1082  }
0x22: {  	[simem:s7], [sflag:s8] =	dma.local @!p0 [hbm:s6], $0xF7A  }
0x23: {  	s9 =	sor.u32 $0xD0000000, s2;
	s6 =	simm.s32 $0x108;
	_ =	swait.ge @!p0 [sflag:s8], $0x0  }
0x24: {  	s3 =	sadd.s32 $0x88, s3;
	s6 =	simm.s32 @!p1 $0x1082;
	[sflag:s4] =	ssyncset.s32 $0xFFFFF086  }
0x25: {  	[simem:s6], [sflag:s4] =	dma.local [hbm:s3], $0xF7A  }
0x26: {  	[smem:$0x3F92] =	sst s1;
	(tag) =	ssettag s2;
	_ =	strace s9  }
0x27: {  	s1 =	sld [smem:$0x3FA2]  }
0x28: {  	s2 =	sld [smem:$0x3FA3]  }
0x29: {  	s4 =	sld [smem:$0x3FA5]  }
0x2a: {  	p0 =	seq.s32 s5, $0x0;
	s5 =	sld [smem:$0x3FA6]  }
0x2b: {  	s6 =	sld [smem:$0x3FA7]  }
0x2c: {  	s7 =	sld [smem:$0x3FA8]  }
0x2d: {  	s3 =	simm.s32 $0x108;
	s8 =	sld [smem:$0x3FA9]  }
0x2e: {  	s3 =	simm.s32 @!p0 $0x1082;
	s9 =	sld [smem:$0x3FAA]  }
0x2f: {  	lr =	sadd.s32 s0, s3;
	s0 =	sld [smem:$0x3FA1]  }
0x30: {  	s3 =	sld [smem:$0x3FA4]  }
0x31: {  	[smem:$0x3FAD] =	sst s10  }
0x32: {  	s10 =	sld [smem:$0x3FAB];
	_ =	sdelay $0x3  }
0x33: {  	p0 =	seq.s32 s10, $0x1;
	s10 =	sld [smem:$0x3FAD];
	_ =	sdelay $0x3  }
0x34: {  	[smem:$0x3FAD] =	sst s10  }
0x35: {  	s10 =	sld [smem:$0x3FAC];
	_ =	sdelay $0x3  }
0x36: {  	p1 =	seq.s32 s10, $0x1;
	s10 =	sld [smem:$0x3FAD];
	_ =	sdelay $0x3  }
0x37: {  	[smem:$0x3FAD] =	sst s10  }
0x38: {  	s10 =	sld [smem:$0x3FAE]  }
0x39: {  	_ = 	snop;
	(pc) =	sbr.ind lr, $3  }
0x3a: {  	_ = 	snop  }
0x3b: {  	_ = 	snop  }
0x3c: {  	p2 =	seq.s32 s10, $0x1;
	s10 =	sld [smem:$0x3FAD]  }
0x3d: {  	_ =	shalt  }
0x3e: {  	_ =	shalt  }
0x3f: {  	_ =	shalt  }
0x40: {  	_ =	shalt  }
0x41: {  	_ =	shalt  }
0x42: {  	_ =	shalt  }
0x43: {  	_ =	shalt  }
0x44: {  	_ =	shalt  }
0x45: {  	_ =	shalt  }
0x46: {  	_ =	shalt  }
0x47: {  	_ =	shalt  }
0x48: {  	_ =	shalt  }
0x49: {  	_ =	shalt  }
0x4a: {  	_ =	shalt  }
0x4b: {  	_ =	shalt  }
0x4c: {  	_ =	shalt  }
0x4d: {  	_ =	shalt  }
0x4e: {  	_ =	shalt  }
0x4f: {  	_ =	shalt  }
0x50: {  	_ =	shalt  }
0x51: {  	_ =	shalt  }
0x52: {  	_ =	shalt  }
0x53: {  	_ =	shalt  }
0x54: {  	_ =	shalt  }
0x55: {  	_ =	shalt  }
0x56: {  	_ =	shalt  }
0x57: {  	_ =	shalt  }
0x58: {  	_ =	shalt  }
0x59: {  	_ =	shalt  }
0x5a: {  	_ =	shalt  }
0x5b: {  	_ =	shalt  }
0x5c: {  	_ =	shalt  }
0x5d: {  	_ =	shalt  }
0x5e: {  	_ =	shalt  }
0x5f: {  	_ =	shalt  }
0x60: {  	_ =	shalt  }
0x61: {  	_ =	shalt  }
0x62: {  	_ =	shalt  }
0x63: {  	_ =	shalt  }
0x64: {  	_ =	shalt  }
0x65: {  	_ =	shalt  }
0x66: {  	_ =	shalt  }
0x67: {  	_ =	shalt  }
0x68: {  	_ =	shalt  }
0x69: {  	_ =	shalt  }
0x6a: {  	_ =	shalt  }
0x6b: {  	_ =	shalt  }
0x6c: {  	_ =	shalt  }
0x6d: {  	_ =	shalt  }
0x6e: {  	_ =	shalt  }
0x6f: {  	_ =	shalt  }
0x70: {  	_ =	shalt  }
0x71: {  	_ =	shalt  }
0x72: {  	_ =	shalt  }
0x73: {  	_ =	shalt  }
0x74: {  	_ =	shalt  }
0x75: {  	_ =	shalt  }
0x76: {  	_ =	shalt  }
0x77: {  	_ =	shalt  }
0x78: {  	_ =	shalt  }
0x79: {  	_ =	shalt  }
0x7a: {  	_ =	shalt  }
0x7b: {  	_ =	shalt  }
0x7c: {  	_ =	shalt  }
0x7d: {  	_ =	shalt  }
0x7e: {  	_ =	shalt  }
0x7f: {  	_ =	shalt  }
0x80: {  	_ =	shalt  }
0x81: {  	_ =	shalt  }
0x82: {  	_ =	shalt  }
0x83: {  	_ =	shalt  }
0x84: {  	_ =	shalt  }
0x85: {  	_ =	shalt  }
0x86: {  	_ =	shalt  }
0x87: {  	_ =	shalt  }
.Lfunc_end0:
.L_simem_size_0:
called_computation.1_lowered:
.L_overlay_start_0:
0x88: {  	s2 =	sld [smem:$0x3FD9]  }
0x89: {  	s3 =	sld [smem:$0x3FFE];
	_ =	sdelay $0x1  }
0x8a: {  	s1 =	srdreg.scid  }
0x8b: {  	s0 =	sand.u32 $0x1, s1  }
0x8c: {  	s16 =	sshll.u32 s0, $0xA;
	s2 =	sadd.s32 s3, s2  }
0x8d: {  	s2 =	sadd.s32 s2, s16  }
0x8e: {  	[smem:$0x3FB9] =	sst s2  }
0x8f: {  	_ = 	snop  }
0x90: {  	(tm) =	ssettm $0x1  }
0x91: {  	s17 =	sld [smem:$0x3FFB];
	_ =	sdelay $0x3  }
0x92: {  	_ =	strace s17  }
0x93: {  	s2 =	sld [smem:$0x3FFC];
	_ =	sdelay $0x3  }
0x94: {  	_ =	strace s2  }
0x95: {  	s2 =	sld [smem:$0x3FFD];
	_ =	sdelay $0x3  }
0x96: {  	_ =	strace s2  }
0x97: {  	_ =	strace $0x8FFFFFFF  }
0x98: {  	s18 =	sld [smem:$0x3FDB];
	_ =	sdelay $0x1  }
0x99: {  	s19 =	simm.s32 $_scs_section_size  }
0x9a: {  	s4 =	simm.s32 $_size__tile_overlayer_lowered;
	s5 =	simm.s32 $_tile_overlayer_lowered  }
0x9b: {  	s22 =	simm.s32 $0x1BFF;
	s21 =	sshll.u32 s5, $0x1;
	s2 =	sadd.s32 s19, s18  }
0x9c: {  	s6 =	simm.s32 $0x0;
	s20 =	sshll.u32 s4, $0x1;
	s4 =	sadd.s32 s21, s2  }
0x9d: {  	[timem:s6], [sflag:s22] =	dma.local [hbm:s4], s20  }
0x9e: {  	_ =	swait.ge [sflag:s22], s20  }
0x9f: {  	s3 =	ssub.s32 $0x0, s20;
	[sflag:s22] =	ssyncset.done $0x0  }
0xa0: {  	[sflag:s22] =	ssyncadd.s32 s3;
	_ =	sdelay $0x1  }
0xa1: {  	s23 =	simm.s32 $0x1B8B  }
0xa2: {  	_ =	swait.ge [sflag:s23], $0x1  }
0xa3: {  	[sflag:s23] =	ssyncset.done $0x0  }
0xa4: {  	s25 =	simm.s32 $0x1B8E;
	s24 =	sld [smem:$0x3FFE];
	[sflag:s23] =	ssyncadd.s32 $0xFFFFFFFF  }
0xa5: {  	s26 =	simm.s32 $execute0_lowered;
	[smem:$0x3FD2] =	sst s25  }
0xa6: {  	s4 =	sshll.u32 s26, $0x1;
	_ =	strace $0x80000049;
	[dreg:$0x1] =	wrdreg $0xFFFFFFFF  }
0xa7: {  	s28 =	simm.s32 $_size_execute0_lowered;
	s2 =	sadd.s32 s2, s4;
	[dreg:$0x0] =	wrdreg $0x0  }
0xa8: {  	s4 =	sshll.u32 s28, $0x1;
	[dreg:$0x2] =	wrdreg s2  }
0xa9: {  	[dreg:$0x3] =	wrdreg s4  }
0xaa: {  	[dreg:$0x4] =	wrdreg $0xC0  }
0xab: {  	_ =	task [dreg:s6], $0x5FFFF  }
0xac: {  	[dreg:$0x1] =	wrdreg $0xFFFFFFFF  }
0xad: {  	[dreg:$0x0] =	wrdreg $0x60  }
0xae: {  	[dreg:$0x2] =	wrdreg s24  }
0xaf: {  	[dreg:$0x3] =	wrdreg $0x9  }
0xb0: {  	_ =	task.clear_ibuf [dreg:s6], $0x4FFFF;
	_ =	strace $0x90000049  }
0xb1: {  	s29 =	simm.s32 $0x9;
	_ =	strace $0x8000004B  }
0xb2: {  	_ =	swait.ge [sflag:s29], $0x1  }
0xb3: {  	[sflag:s29] =	ssyncadd.s32 $0xFFFFFFFF  }
0xb4: {  	_ =	strace $0x9000004B  }
0xb5: {  	_ =	sfence  }
0xb6: {  	s30 =	sld [smem:$0x0];
	_ =	sdelay $0x2  }
0xb7: {  	s31 =	sshll.u32 s1, $0xD;
	s1 =	sshrl.u32 s1, $0x2  }
0xb8: {  	s3 =	sand.u32 $0x4000, s31;
	s1 =	sadd.s32 s1, s30  }
0xb9: {  	s0 =	sor.u32 s3, s0;
	s1 =	sshll.u32 s1, $0x11  }
0xba: {  	s0 =	sor.u32 s1, s0  }
0xbb: {  	s0 =	sadd.s32 $0x8F2B, s0  }
0xbc: {  	[sflag:s0] =	ssyncadd.remote.s32 $0x1  }
0xbd: {  	_ =	sfence.sel $0xFFFF  }
0xbe: {  	[dreg:$0x0] =	wrdreg $0xFFFFFFFF;
	(pc) =	sbr.abs _section_cstart, $3  }
0xbf: {  	[dreg:$0x1] =	wrdreg $0xFFFFFFFF  }
0xc0: {  	_ =	task.clear_ibuf [dreg:s6], $0x2FFFF;
	_ =	strace $0x9FFFFFFF  }
0xc1: {  	(tm) =	ssettm $0x7FFFFFFF  }
tec
execute0_lowered:
.L_overlay_start_1:
0x0: {  	(tag) =	ssettag $0x1  }
0x1: {  	s0 =	rddreg [dreg:$0x0];
	s1 =	simm.s32 $0x0;
	s25 =	srdreg.scid  }
0x2: {  	s6 =	stileid.u32;
	s10 =	simm.s32 $0x2;
	s13 =	simm.s32 $0x180  }
0x3: {  	s22 =	simm.s32 $0x4980;
	s23 =	simm.s32 $0x5180;
	s24 =	simm.s32 $0x5980  }
0x4: {  	s28 =	simm.s32 $0x7180;
	s29 =	simm.s32 $0x7980;
	s30 =	simm.s32 $0x8180  }
0x5: {  	s31 =	simm.s32 $0x8980;
	s9 =	simm.s32 $0xA180;
	s11 =	simm.s32 $0xB180  }
0x6: {  	s12 =	simm.s32 $0xB980;
	s14 =	simm.s32 $0x1;
	s16 =	simm.s32 $0x0  }
0x7: {  	[smem:$0x7FF] =	sst s1;
	s3 =	sadd.s32 $0x197600, s0;
	s4 =	sadd.s32 $0x5C00, s0  }
0x8: {  	s1 =	sand.u32 $0x1, s25;
	s5 =	sadd.s32 $0x4200, s0;
	s7 =	sshll.u32 s6, $0x1  }
0x9: {  	s6 =	sadd.s32 $0x2800, s0;
	s25 =	simm.s32 $0x6180;
	s2 =	ssub.s32 $0x2, s1  }
0xa: {  	_ =	strace $0x8000004A;
	s1 =	sor.u32 s1, s7;
	s8 =	sshrl.u32 s2, $0x1  }
0xb: {  	v2 =	vlaneseq.u32;
	s7 =	sadd.s32 $0x7600, s0;
	s26 =	ssub.s32 s2, s8;
	s8 =	smul.u32 $0x640, s1  }
0xc: {  	vm0 =	vmmov $0xffff;
	v1 =	vshrl.u32 v2, $0x3;
	s2 =	simm.s32 $0x9980;
	s1 =	simm.s32 $0xA980;
	s0 =	smax.u32 s26, $0x1  }
0xd: {  	v0 =	vand.u32 $0x7, v2;
	v2 =	vor.u32 $0x8, v2;
	v1 =	vmul.u32 $0x8, v1;
	s26 =	simm.s32 $0x6980;
	[dreg:$0x2] =	wrdreg s0;
	s0 =	simm.s32 $0x9180  }
.LBB2_1:
0xe: {  	[dreg:$0x3] =	wrdreg s16;
	s15 =	simm.s32 $0x0  }
.LBB2_2:
0xf: {  	s16 =	sshll.u32 s15, $0x6  }
0x10: {  	s16 =	sadd.s32 s8, s16  }
0x11: {  	s18 =	sshrl.u32 s16, $0x3  }
0x12: {  	s17 =	simm.s32 $0x0;
	s19 =	sadd.s32 s4, s18  }
0x13: {  	[tilespmem:s17], [sflag:$0x2] =	stream.linear.gather [hbm4b:s19+s17], $0x40, $0x38;
	[tilespmem:$0xC180] =	vst v63  }
0x14: {  	_ =	swait.ge [sflag:s10], $0x40  }
0x15: {  	[sflag:s10] =	ssyncset.done $0x0  }
0x16: {  	s20 =	simm.s32 $0x80;
	s21 =	sadd.s32 s5, s18;
	[sflag:s10] =	ssyncadd.s32 $0xFFFFFFC0  }
0x17: {  	[tilespmem:s20], [sflag:$0x2] =	stream.linear.gather [hbm4b:s21+s17], $0x40, $0x38;
	[tilespmem:$0xC180] =	vst v63  }
0x18: {  	_ =	swait.ge [sflag:s10], $0x40  }
0x19: {  	[sflag:s10] =	ssyncset.done $0x0  }
0x1a: {  	s18 =	sadd.s32 s6, s18;
	s20 =	simm.s32 $0x100;
	[sflag:s10] =	ssyncadd.s32 $0xFFFFFFC0  }
0x1b: {  	[tilespmem:s20], [sflag:$0x2] =	stream.linear.gather [hbm4b:s18+s17], $0x40, $0x38;
	[tilespmem:$0xC180] =	vst v63  }
0x1c: {  	_ =	swait.ge [sflag:s10], $0x40  }
0x1d: {  	[sflag:s10] =	ssyncset.done $0x0  }
0x1e: {  	[sflag:s10] =	ssyncadd.s32 $0xFFFFFFC0  }
0x1f: {  	v3 =	vld [tilespmem:$0x0];
	_ =	sdelay $0x4  }
0x20: {  	v4 =	vshll.u32 v3, $0x1  }
0x21: {  	v3 =	vand.u32 $0x7, v3;
	v4 =	vand.u32 $0xFFFFFFF0, v4  }
0x22: {  	v3 =	vor.u32 v3, v4  }
0x23: {  	v4 =	vperm.xlane v3, v0;
	_ =	sdelay $0x1  }
0x24: {  	v3 =	vperm.xlane v3, v2;
	v4 =	vadd.s32 v1, v4;
	_ =	sdelay $0x1  }
0x25: {  	v3 =	vadd.s32 v1, v3;
	_ =	sdelay $0x2  }
0x26: {  	[tilespmem:s13], [sflag:$0x1] =	stream.indirect_vreg.gather [hbm4b:s3+s17], $0x80, v4, vm0, $0xb8;
	[tilespmem:$0xC180] =	vst v63  }
0x27: {  	s21 =	simm.s32 $0x980  }
0x28: {  	[tilespmem:s21], [sflag:$0x1] =	stream.indirect_vreg.gather [hbm4b:s3+s17], $0x80, v3, vm0, $0xb8;
	[tilespmem:$0xC180] =	vst v63  }
0x29: {  	v3 =	vld [tilespmem:$0x10];
	_ =	sdelay $0x4  }
0x2a: {  	v4 =	vshll.u32 v3, $0x1  }
0x2b: {  	v3 =	vand.u32 $0x7, v3;
	v4 =	vand.u32 $0xFFFFFFF0, v4  }
0x2c: {  	v3 =	vor.u32 v3, v4  }
0x2d: {  	v4 =	vperm.xlane v3, v0;
	_ =	sdelay $0x1  }
0x2e: {  	v3 =	vperm.xlane v3, v2;
	v4 =	vadd.s32 v1, v4;
	_ =	sdelay $0x1  }
0x2f: {  	v3 =	vadd.s32 v1, v3;
	_ =	sdelay $0x1  }
0x30: {  	s19 =	simm.s32 $0x1180  }
0x31: {  	[tilespmem:s19], [sflag:$0x1] =	stream.indirect_vreg.gather [hbm4b:s3+s17], $0x80, v4, vm0, $0xb8;
	[tilespmem:$0xC180] =	vst v63  }
0x32: {  	s20 =	simm.s32 $0x1980  }
0x33: {  	[tilespmem:s20], [sflag:$0x1] =	stream.indirect_vreg.gather [hbm4b:s3+s17], $0x80, v3, vm0, $0xb8;
	[tilespmem:$0xC180] =	vst v63  }
0x34: {  	v3 =	vld [tilespmem:$0x20];
	_ =	sdelay $0x4  }
0x35: {  	v4 =	vshll.u32 v3, $0x1  }
0x36: {  	v3 =	vand.u32 $0x7, v3;
	v4 =	vand.u32 $0xFFFFFFF0, v4  }
0x37: {  	v3 =	vor.u32 v3, v4  }
0x38: {  	v4 =	vperm.xlane v3, v0;
	_ =	sdelay $0x1  }
0x39: {  	v3 =	vperm.xlane v3, v2;
	v4 =	vadd.s32 v1, v4;
	_ =	sdelay $0x1  }
0x3a: {  	v3 =	vadd.s32 v1, v3;
	_ =	sdelay $0x1  }
0x3b: {  	s21 =	simm.s32 $0x2180  }
0x3c: {  	[tilespmem:s21], [sflag:$0x1] =	stream.indirect_vreg.gather [hbm4b:s3+s17], $0x80, v4, vm0, $0xb8;
	[tilespmem:$0xC180] =	vst v63  }
0x3d: {  	s19 =	simm.s32 $0x2980  }
0x3e: {  	[tilespmem:s19], [sflag:$0x1] =	stream.indirect_vreg.gather [hbm4b:s3+s17], $0x80, v3, vm0, $0xb8;
	[tilespmem:$0xC180] =	vst v63  }
0x3f: {  	v3 =	vld [tilespmem:$0x30];
	_ =	sdelay $0x4  }
0x40: {  	v4 =	vshll.u32 v3, $0x1  }
0x41: {  	v3 =	vand.u32 $0x7, v3;
	v4 =	vand.u32 $0xFFFFFFF0, v4  }
0x42: {  	v3 =	vor.u32 v3, v4  }
0x43: {  	v4 =	vperm.xlane v3, v0;
	_ =	sdelay $0x1  }
0x44: {  	v3 =	vperm.xlane v3, v2;
	v4 =	vadd.s32 v1, v4;
	_ =	sdelay $0x1  }
0x45: {  	v3 =	vadd.s32 v1, v3;
	_ =	sdelay $0x1  }
0x46: {  	s20 =	simm.s32 $0x3180  }
0x47: {  	[tilespmem:s20], [sflag:$0x1] =	stream.indirect_vreg.gather [hbm4b:s3+s17], $0x80, v4, vm0, $0xb8;
	[tilespmem:$0xC180] =	vst v63  }
0x48: {  	s21 =	simm.s32 $0x3980  }
0x49: {  	[tilespmem:s21], [sflag:$0x1] =	stream.indirect_vreg.gather [hbm4b:s3+s17], $0x80, v3, vm0, $0xb8;
	[tilespmem:$0xC180] =	vst v63  }
0x4a: {  	v3 =	vld [tilespmem:$0x80];
	_ =	sdelay $0x4  }
0x4b: {  	v4 =	vshll.u32 v3, $0x1  }
0x4c: {  	v3 =	vand.u32 $0x7, v3;
	v4 =	vand.u32 $0xFFFFFFF0, v4  }
0x4d: {  	v3 =	vor.u32 v3, v4  }
0x4e: {  	v4 =	vperm.xlane v3, v0;
	_ =	sdelay $0x1  }
0x4f: {  	v3 =	vperm.xlane v3, v2;
	v4 =	vadd.s32 v1, v4;
	_ =	sdelay $0x1  }
0x50: {  	v3 =	vadd.s32 v1, v3;
	_ =	sdelay $0x1  }
0x51: {  	s19 =	simm.s32 $0x4180  }
0x52: {  	[tilespmem:s19], [sflag:$0x1] =	stream.indirect_vreg.gather [hbm4b:s3+s17], $0x80, v4, vm0, $0xb8;
	[tilespmem:$0xC180] =	vst v63  }
0x53: {  	_ = 	snop  }
0x54: {  	[tilespmem:s22], [sflag:$0x1] =	stream.indirect_vreg.gather [hbm4b:s3+s17], $0x80, v3, vm0, $0xb8;
	[tilespmem:$0xC180] =	vst v63  }
0x55: {  	v3 =	vld [tilespmem:$0x90];
	_ =	sdelay $0x4  }
0x56: {  	v4 =	vshll.u32 v3, $0x1  }
0x57: {  	v3 =	vand.u32 $0x7, v3;
	v4 =	vand.u32 $0xFFFFFFF0, v4  }
0x58: {  	v3 =	vor.u32 v3, v4  }
0x59: {  	v4 =	vperm.xlane v3, v0;
	_ =	sdelay $0x1  }
0x5a: {  	v3 =	vperm.xlane v3, v2;
	v4 =	vadd.s32 v1, v4;
	_ =	sdelay $0x1  }
0x5b: {  	v3 =	vadd.s32 v1, v3;
	_ =	sdelay $0x2  }
0x5c: {  	[tilespmem:s23], [sflag:$0x1] =	stream.indirect_vreg.gather [hbm4b:s3+s17], $0x80, v4, vm0, $0xb8;
	[tilespmem:$0xC180] =	vst v63  }
0x5d: {  	_ = 	snop  }
0x5e: {  	[tilespmem:s24], [sflag:$0x1] =	stream.indirect_vreg.gather [hbm4b:s3+s17], $0x80, v3, vm0, $0xb8;
	[tilespmem:$0xC180] =	vst v63  }
0x5f: {  	v3 =	vld [tilespmem:$0xA0];
	_ =	sdelay $0x4  }
0x60: {  	v4 =	vshll.u32 v3, $0x1  }
0x61: {  	v3 =	vand.u32 $0x7, v3;
	v4 =	vand.u32 $0xFFFFFFF0, v4  }
0x62: {  	v3 =	vor.u32 v3, v4  }
0x63: {  	v4 =	vperm.xlane v3, v0;
	_ =	sdelay $0x1  }
0x64: {  	v3 =	vperm.xlane v3, v2;
	v4 =	vadd.s32 v1, v4;
	_ =	sdelay $0x1  }
0x65: {  	v3 =	vadd.s32 v1, v3;
	_ =	sdelay $0x2  }
0x66: {  	[tilespmem:s25], [sflag:$0x1] =	stream.indirect_vreg.gather [hbm4b:s3+s17], $0x80, v4, vm0, $0xb8;
	[tilespmem:$0xC180] =	vst v63  }
0x67: {  	_ = 	snop  }
0x68: {  	[tilespmem:s26], [sflag:$0x1] =	stream.indirect_vreg.gather [hbm4b:s3+s17], $0x80, v3, vm0, $0xb8;
	[tilespmem:$0xC180] =	vst v63  }
0x69: {  	v3 =	vld [tilespmem:$0xB0];
	_ =	sdelay $0x4  }
0x6a: {  	v4 =	vshll.u32 v3, $0x1  }
0x6b: {  	v3 =	vand.u32 $0x7, v3;
	v4 =	vand.u32 $0xFFFFFFF0, v4  }
0x6c: {  	v3 =	vor.u32 v3, v4  }
0x6d: {  	v4 =	vperm.xlane v3, v0;
	_ =	sdelay $0x1  }
0x6e: {  	v3 =	vperm.xlane v3, v2;
	v4 =	vadd.s32 v1, v4;
	_ =	sdelay $0x1  }
0x6f: {  	v3 =	vadd.s32 v1, v3;
	_ =	sdelay $0x2  }
0x70: {  	[tilespmem:s28], [sflag:$0x1] =	stream.indirect_vreg.gather [hbm4b:s3+s17], $0x80, v4, vm0, $0xb8;
	[tilespmem:$0xC180] =	vst v63  }
0x71: {  	_ = 	snop  }
0x72: {  	[tilespmem:s29], [sflag:$0x1] =	stream.indirect_vreg.gather [hbm4b:s3+s17], $0x80, v3, vm0, $0xb8;
	[tilespmem:$0xC180] =	vst v63  }
0x73: {  	v3 =	vld [tilespmem:$0x100];
	_ =	sdelay $0x4  }
0x74: {  	v4 =	vshll.u32 v3, $0x1  }
0x75: {  	v3 =	vand.u32 $0x7, v3;
	v4 =	vand.u32 $0xFFFFFFF0, v4  }
0x76: {  	v3 =	vor.u32 v3, v4  }
0x77: {  	v4 =	vperm.xlane v3, v0;
	_ =	sdelay $0x1  }
0x78: {  	v3 =	vperm.xlane v3, v2;
	v4 =	vadd.s32 v1, v4;
	_ =	sdelay $0x1  }
0x79: {  	v3 =	vadd.s32 v1, v3;
	_ =	sdelay $0x2  }
0x7a: {  	[tilespmem:s30], [sflag:$0x1] =	stream.indirect_vreg.gather [hbm4b:s3+s17], $0x80, v4, vm0, $0xb8;
	[tilespmem:$0xC180] =	vst v63  }
0x7b: {  	_ = 	snop  }
0x7c: {  	[tilespmem:s31], [sflag:$0x1] =	stream.indirect_vreg.gather [hbm4b:s3+s17], $0x80, v3, vm0, $0xb8;
	[tilespmem:$0xC180] =	vst v63  }
0x7d: {  	v3 =	vld [tilespmem:$0x110];
	_ =	sdelay $0x4  }
0x7e: {  	v4 =	vshll.u32 v3, $0x1  }
0x7f: {  	v3 =	vand.u32 $0x7, v3;
	v4 =	vand.u32 $0xFFFFFFF0, v4  }
0x80: {  	v3 =	vor.u32 v3, v4  }
0x81: {  	v4 =	vperm.xlane v3, v0;
	_ =	sdelay $0x1  }
0x82: {  	v3 =	vperm.xlane v3, v2;
	v4 =	vadd.s32 v1, v4;
	_ =	sdelay $0x1  }
0x83: {  	v3 =	vadd.s32 v1, v3;
	_ =	sdelay $0x2  }
0x84: {  	[tilespmem:s0], [sflag:$0x1] =	stream.indirect_vreg.gather [hbm4b:s3+s17], $0x80, v4, vm0, $0xb8;
	[tilespmem:$0xC180] =	vst v63  }
0x85: {  	_ = 	snop  }
0x86: {  	[tilespmem:s2], [sflag:$0x1] =	stream.indirect_vreg.gather [hbm4b:s3+s17], $0x80, v3, vm0, $0xb8;
	[tilespmem:$0xC180] =	vst v63  }
0x87: {  	v3 =	vld [tilespmem:$0x120];
	_ =	sdelay $0x4  }
0x88: {  	v4 =	vshll.u32 v3, $0x1  }
0x89: {  	v3 =	vand.u32 $0x7, v3;
	v4 =	vand.u32 $0xFFFFFFF0, v4  }
0x8a: {  	v3 =	vor.u32 v3, v4  }
0x8b: {  	v4 =	vperm.xlane v3, v0;
	_ =	sdelay $0x1  }
0x8c: {  	v3 =	vperm.xlane v3, v2;
	v4 =	vadd.s32 v1, v4;
	_ =	sdelay $0x1  }
0x8d: {  	v3 =	vadd.s32 v1, v3;
	_ =	sdelay $0x2  }
0x8e: {  	[tilespmem:s9], [sflag:$0x1] =	stream.indirect_vreg.gather [hbm4b:s3+s17], $0x80, v4, vm0, $0xb8;
	[tilespmem:$0xC180] =	vst v63  }
0x8f: {  	_ = 	snop  }
0x90: {  	[tilespmem:s1], [sflag:$0x1] =	stream.indirect_vreg.gather [hbm4b:s3+s17], $0x80, v3, vm0, $0xb8;
	[tilespmem:$0xC180] =	vst v63  }
0x91: {  	v3 =	vld [tilespmem:$0x130];
	_ =	sdelay $0x4  }
0x92: {  	v4 =	vshll.u32 v3, $0x1  }
0x93: {  	v3 =	vand.u32 $0x7, v3;
	v4 =	vand.u32 $0xFFFFFFF0, v4  }
0x94: {  	v3 =	vor.u32 v3, v4  }
0x95: {  	v4 =	vperm.xlane v3, v0;
	_ =	sdelay $0x1  }
0x96: {  	v3 =	vperm.xlane v3, v2;
	v4 =	vadd.s32 v1, v4;
	_ =	sdelay $0x1  }
0x97: {  	v3 =	vadd.s32 v1, v3;
	_ =	sdelay $0x2  }
0x98: {  	[tilespmem:s11], [sflag:$0x1] =	stream.indirect_vreg.gather [hbm4b:s3+s17], $0x80, v4, vm0, $0xb8;
	[tilespmem:$0xC180] =	vst v63  }
0x99: {  	_ = 	snop  }
0x9a: {  	[tilespmem:s12], [sflag:$0x1] =	stream.indirect_vreg.gather [hbm4b:s3+s17], $0x80, v3, vm0, $0xb8;
	[tilespmem:$0xC180] =	vst v63  }
0x9b: {  	_ =	swait.ge [sflag:s14], $0x4000  }
0x9c: {  	[sflag:s14] =	ssyncset.done $0x0  }
0x9d: {  	[sflag:s14] =	ssyncadd.s32 $0xFFFFC000  }
0x9e: {  	_ =	swait.ge [sflag:s14], $0x4000  }
0x9f: {  	[sflag:s14] =	ssyncset.done $0x0  }
0xa0: {  	[sflag:s14] =	ssyncadd.s32 $0xFFFFC000  }
0xa1: {  	_ =	swait.ge [sflag:s14], $0x4000  }
0xa2: {  	s20 =	sand.u32 $0x3800, s17;
	s21 =	sand.u32 $0x380, s17;
	[sflag:s14] =	ssyncset.done $0x0  }
0xa3: {  	s18 =	sor.u32 s21, s20;
	[sflag:s14] =	ssyncadd.s32 $0xFFFFC000  }
0xa4: {  	v17 =	vld [tilespmem:s18+$0x8180]  }
0xa5: {  	v18 =	vld [tilespmem:s18+$0x8190]  }
0xa6: {  	v19 =	vld [tilespmem:s18+$0x81A0]  }
0xa7: {  	v21 =	vld [tilespmem:s18+$0x81B0]  }
0xa8: {  	v22 =	vld [tilespmem:s18+$0x81C0]  }
0xa9: {  	v23 =	vld [tilespmem:s18+$0x81D0]  }
0xaa: {  	v24 =	vld [tilespmem:s18+$0x81E0]  }
0xab: {  	v9 =	vld [tilespmem:s18+$0x81F0]  }
0xac: {  	v8 =	vld [tilespmem:s18+$0x8580]  }
0xad: {  	v7 =	vld [tilespmem:s18+$0x8590]  }
0xae: {  	v6 =	vld [tilespmem:s18+$0x85A0]  }
0xaf: {  	v5 =	vld [tilespmem:s18+$0x85B0]  }
0xb0: {  	v4 =	vld [tilespmem:s18+$0x85C0]  }
0xb1: {  	v3 =	vld [tilespmem:s18+$0x85D0]  }
0xb2: {  	v20 =	vld [tilespmem:s18+$0x4180]  }
0xb3: {  	v25 =	vld [tilespmem:s18+$0x4190]  }
0xb4: {  	v26 =	vld [tilespmem:s18+$0x41A0]  }
0xb5: {  	v27 =	vld [tilespmem:s18+$0x41B0]  }
0xb6: {  	v28 =	vld [tilespmem:s18+$0x41C0]  }
0xb7: {  	v29 =	vld [tilespmem:s18+$0x41D0]  }
0xb8: {  	v30 =	vld [tilespmem:s18+$0x41E0]  }
0xb9: {  	v31 =	vld [tilespmem:s18+$0x41F0]  }
0xba: {  	v32 =	vld [tilespmem:s18+$0x4580]  }
0xbb: {  	v16 =	vld [tilespmem:s18+$0x4590]  }
0xbc: {  	v15 =	vld [tilespmem:s18+$0x45A0]  }
0xbd: {  	v14 =	vld [tilespmem:s18+$0x45B0]  }
0xbe: {  	v13 =	vld [tilespmem:s18+$0x45C0]  }
0xbf: {  	v12 =	vld [tilespmem:s18+$0x45D0]  }
0xc0: {  	v11 =	vld [tilespmem:s18+$0x45E0]  }
0xc1: {  	v10 =	vld [tilespmem:s18+$0x45F0]  }
0xc2: {  	v33 =	vld [tilespmem:s18+$0x180]  }
0xc3: {  	v34 =	vld [tilespmem:s18+$0x190]  }
0xc4: {  	v35 =	vld [tilespmem:s18+$0x1A0]  }
0xc5: {  	v36 =	vld [tilespmem:s18+$0x1B0]  }
0xc6: {  	v37 =	vld [tilespmem:s18+$0x1C0]  }
0xc7: {  	v60 =	vld [tilespmem:s18+$0x1D0];
	v20 =	vadd.f32 v20, v33  }
0xc8: {  	v61 =	vld [tilespmem:s18+$0x1E0];
	v25 =	vadd.f32 v25, v34  }
0xc9: {  	v17 =	vadd.f32 v17, v20;
	v20 =	vadd.f32 v26, v35;
	v26 =	vld [tilespmem:s18+$0x1F0]  }
0xca: {  	v18 =	vadd.f32 v18, v25;
	v25 =	vadd.f32 v27, v36;
	v27 =	vld [tilespmem:s18+$0x580]  }
0xcb: {  	[tilespmem:s18+$0x180] =	vst v17;
	v17 =	vadd.f32 v19, v20;
	v19 =	vadd.f32 v28, v37;
	v20 =	vld [tilespmem:s18+$0x590]  }
0xcc: {  	v62 =	vadd.f32 v29, v60;
	[tilespmem:s18+$0x190] =	vst v18;
	v25 =	vadd.f32 v21, v25;
	v21 =	vld [tilespmem:s18+$0x5A0]  }
0xcd: {  	v63 =	vadd.f32 v30, v61;
	v18 =	vld [tilespmem:s18+$0x5B0];
	[tilespmem:s18+$0x1A0] =	vst v17;
	v17 =	vadd.f32 v22, v19  }
0xce: {  	[tilespmem:s18+$0x1B0] =	vst v25;
	v22 =	vadd.f32 v23, v62;
	v19 =	vld [tilespmem:s18+$0x5C0];
	v23 =	vadd.f32 v31, v26  }
0xcf: {  	s19 =	simm.s32 $0x100;
	v25 =	vadd.f32 v24, v63;
	v24 =	vadd.f32 v32, v27;
	[tilespmem:s18+$0x1C0] =	vst v17;
	v17 =	vld [tilespmem:s18+$0x5D0]  }
.LBB2_3:
0xd0: {  	p0 =	sne.s32 s19, $0x3F00;
	[tilespmem:s18+$0x1D0] =	vst v22;
	v9 =	vadd.f32 v9, v23;
	v16 =	vadd.f32 v16, v20;
	v20 =	vld [tilespmem:s18+$0x5E0]  }
0xd1: {  	s17 =	sadd.s32 $0x80, s17;
	[tilespmem:s18+$0x1E0] =	vst v25;
	v8 =	vadd.f32 v8, v24;
	v15 =	vadd.f32 v15, v21;
	v21 =	vld [tilespmem:s18+$0x5F0]  }
0xd2: {  	s20 =	sand.u32 $0x3800, s19;
	s21 =	sand.u32 $0x380, s17;
	[tilespmem:s18+$0x1F0] =	vst v9;
	v7 =	vadd.f32 v7, v16;
	v9 =	vadd.f32 v14, v18;
	v14 =	vld [tilespmem:s18+$0x85E0]  }
0xd3: {  	s20 =	sor.u32 s21, s20;
	[tilespmem:s18+$0x580] =	vst v8;
	v6 =	vadd.f32 v6, v15;
	v8 =	vadd.f32 v13, v19;
	v13 =	vld [tilespmem:s18+$0x85F0]  }
0xd4: {  	v18 =	vld [tilespmem:s20+$0x8180];
	[tilespmem:s18+$0x590] =	vst v7;
	v5 =	vadd.f32 v5, v9;
	v7 =	vadd.f32 v12, v17  }
0xd5: {  	v17 =	vld [tilespmem:s20+$0x8190];
	[tilespmem:s18+$0x5A0] =	vst v6;
	v4 =	vadd.f32 v4, v8;
	v6 =	vadd.f32 v11, v20  }
0xd6: {  	v19 =	vld [tilespmem:s20+$0x81A0];
	[tilespmem:s18+$0x5B0] =	vst v5;
	v3 =	vadd.f32 v3, v7;
	v5 =	vadd.f32 v10, v21  }
0xd7: {  	v21 =	vld [tilespmem:s20+$0x81B0];
	[tilespmem:s18+$0x5C0] =	vst v4;
	v4 =	vadd.f32 v14, v6  }
0xd8: {  	v22 =	vld [tilespmem:s20+$0x81C0];
	[tilespmem:s18+$0x5D0] =	vst v3;
	v3 =	vadd.f32 v13, v5  }
0xd9: {  	v23 =	vld [tilespmem:s20+$0x81D0];
	[tilespmem:s18+$0x5E0] =	vst v4  }
0xda: {  	v24 =	vld [tilespmem:s20+$0x81E0];
	[tilespmem:s18+$0x5F0] =	vst v3;
	s18 =	smov.u32 s20  }
0xdb: {  	v9 =	vld [tilespmem:s18+$0x81F0]  }
0xdc: {  	v8 =	vld [tilespmem:s18+$0x8580]  }
0xdd: {  	v7 =	vld [tilespmem:s18+$0x8590]  }
0xde: {  	v6 =	vld [tilespmem:s18+$0x85A0]  }
0xdf: {  	v5 =	vld [tilespmem:s18+$0x85B0]  }
0xe0: {  	v4 =	vld [tilespmem:s18+$0x85C0]  }
0xe1: {  	v3 =	vld [tilespmem:s18+$0x85D0]  }
0xe2: {  	v20 =	vld [tilespmem:s18+$0x4180]  }
0xe3: {  	v25 =	vld [tilespmem:s18+$0x4190]  }
0xe4: {  	v26 =	vld [tilespmem:s18+$0x41A0]  }
0xe5: {  	v27 =	vld [tilespmem:s18+$0x41B0]  }
0xe6: {  	v28 =	vld [tilespmem:s18+$0x41C0]  }
0xe7: {  	v29 =	vld [tilespmem:s18+$0x41D0]  }
0xe8: {  	v30 =	vld [tilespmem:s18+$0x41E0]  }
0xe9: {  	v31 =	vld [tilespmem:s18+$0x41F0]  }
0xea: {  	v32 =	vld [tilespmem:s18+$0x4580]  }
0xeb: {  	v16 =	vld [tilespmem:s18+$0x4590]  }
0xec: {  	v15 =	vld [tilespmem:s18+$0x45A0]  }
0xed: {  	v14 =	vld [tilespmem:s18+$0x45B0]  }
0xee: {  	v13 =	vld [tilespmem:s18+$0x45C0]  }
0xef: {  	v12 =	vld [tilespmem:s18+$0x45D0]  }
0xf0: {  	v11 =	vld [tilespmem:s18+$0x45E0]  }
0xf1: {  	v10 =	vld [tilespmem:s18+$0x45F0]  }
0xf2: {  	v33 =	vld [tilespmem:s18+$0x180]  }
0xf3: {  	v34 =	vld [tilespmem:s18+$0x190]  }
0xf4: {  	v35 =	vld [tilespmem:s18+$0x1A0]  }
0xf5: {  	v36 =	vld [tilespmem:s18+$0x1B0]  }
0xf6: {  	v37 =	vld [tilespmem:s18+$0x1C0]  }
0xf7: {  	v20 =	vadd.f32 v20, v33;
	v33 =	vld [tilespmem:s18+$0x1D0]  }
0xf8: {  	v25 =	vadd.f32 v25, v34;
	v34 =	vld [tilespmem:s18+$0x1E0]  }
0xf9: {  	v18 =	vadd.f32 v18, v20;
	v20 =	vadd.f32 v26, v35;
	v26 =	vld [tilespmem:s18+$0x1F0]  }
0xfa: {  	v17 =	vadd.f32 v17, v25;
	v25 =	vadd.f32 v27, v36;
	v27 =	vld [tilespmem:s18+$0x580]  }
.Ltmp0:
0xfb: {  	[tilespmem:s18+$0x180] =	vst v18;
	v18 =	vadd.f32 v19, v20;
	v19 =	vadd.f32 v28, v37;
	v20 =	vld [tilespmem:s18+$0x590];
	(pc) =	sbr.rel @p0 .LBB2_3-.Ltmp0, $4  }
0xfc: {  	[tilespmem:s18+$0x190] =	vst v17;
	v17 =	vadd.f32 v21, v25;
	v25 =	vadd.f32 v29, v33;
	v21 =	vld [tilespmem:s18+$0x5A0]  }
0xfd: {  	[tilespmem:s18+$0x1A0] =	vst v18;
	v28 =	vadd.f32 v22, v19;
	v29 =	vadd.f32 v30, v34;
	v18 =	vld [tilespmem:s18+$0x5B0]  }
0xfe: {  	[tilespmem:s18+$0x1B0] =	vst v17;
	v22 =	vadd.f32 v23, v25;
	v23 =	vadd.f32 v31, v26;
	v19 =	vld [tilespmem:s18+$0x5C0]  }
0xff: {  	s19 =	sadd.s32 $0x100, s19;
	[tilespmem:s18+$0x1C0] =	vst v28;
	v25 =	vadd.f32 v24, v29;
	v24 =	vadd.f32 v32, v27;
	v17 =	vld [tilespmem:s18+$0x5D0]  }
0x100: {  	[tilespmem:s18+$0x1D0] =	vst v22;
	v9 =	vadd.f32 v9, v23;
	v54 =	vld [tilespmem:s18+$0x5E0];
	v16 =	vadd.f32 v16, v20  }
0x101: {  	v55 =	vld [tilespmem:s18+$0x5F0];
	[tilespmem:s18+$0x1E0] =	vst v25;
	v8 =	vadd.f32 v8, v24;
	v56 =	vadd.f32 v15, v21  }
0x102: {  	v57 =	vld [tilespmem:s18+$0x85E0];
	[tilespmem:s18+$0x1F0] =	vst v9;
	v7 =	vadd.f32 v7, v16;
	v14 =	vadd.f32 v14, v18  }
0x103: {  	v59 =	vld [tilespmem:s18+$0x85F0];
	[tilespmem:s18+$0x580] =	vst v8;
	v6 =	vadd.f32 v6, v56;
	v58 =	vadd.f32 v13, v19  }
0x104: {  	[tilespmem:s18+$0x590] =	vst v7;
	v5 =	vadd.f32 v5, v14;
	v60 =	vadd.f32 v12, v17  }
0x105: {  	[tilespmem:s18+$0x5A0] =	vst v6;
	v4 =	vadd.f32 v4, v58;
	v61 =	vadd.f32 v11, v54  }
0x106: {  	v62 =	vadd.f32 v10, v55;
	[tilespmem:s18+$0x5B0] =	vst v5;
	v3 =	vadd.f32 v3, v60  }
0x107: {  	[tilespmem:s18+$0x5C0] =	vst v4;
	v63 =	vadd.f32 v57, v61  }
0x108: {  	s15 =	sadd.s32 $0x1, s15;
	[tilespmem:s18+$0x5D0] =	vst v3;
	v3 =	vadd.f32 v59, v62  }
0x109: {  	s16 =	sshll.u32 s16, $0x5;
	p0 =	sne.s32 s15, $0x19;
	[tilespmem:s18+$0x5E0] =	vst v63  }
.Ltmp1:
0x10a: {  	s17 =	simm.s32 $0x0;
	s16 =	sadd.s32 s7, s16;
	[tilespmem:s18+$0x5F0] =	vst v3;
	(pc) =	sbr.rel @p0 .LBB2_2-.Ltmp1, $4  }
0x10b: {  	[hbm4b:s16+s17] =	stream.linear.scatter [tilespmem:s13], [sflag:$0x2], $0x4000, $0x38;
	[tilespmem:$0xC180] =	vst v63  }
0x10c: {  	_ =	swait.ge [sflag:s10], $0x4000  }
0x10d: {  	[sflag:s10] =	ssyncset.done $0x0  }
0x10e: {  	[sflag:s10] =	ssyncadd.s32 $0xFFFFC000  }
0x10f: {  	s16 =	rddreg [dreg:$0x3]  }
0x110: {  	s15 =	rddreg [dreg:$0x2];
	s16 =	sadd.s32 $0x1, s16  }
0x111: {  	p0 =	sne.s32 s16, s15  }
.Ltmp2:
0x112: {  	_ = 	snop;
	(pc) =	sbr.rel @p0 .LBB2_1-.Ltmp2, $1  }
0x113: {  	_ =	sdelay $0x3  }
0x114: {  	_ =	sfence.sel $0x180000  }
0x115: {  	[bflag:$0x0] =	sbarrier.arrive $0xFFFF  }
0x116: {  	_ =	strace $0x9000004A  }
0x117: {  	s0 =	stileid.u32;
	[bflag:$0x2] =	sbarrier.arrive $0xFFFF  }
0x118: {  	p0 =	sne.s32 s0, $0x0;
	s0 =	rddreg [dreg:$0x1]  }
0x119: {  	s0 =	sadd.s32 @!p0 $0x100000, s0  }
0x11a: {  	[sflag:s0] =	ssyncadd.tile.s32 @!p0 $0x1;
	_ =	shalt  }
.Lfunc_end2:
_tile_overlayer_lowered:
.L_overlay_start_2:
0x11b: {  	(tag) =	ssettag $0x2  }
0x11c: {  	s0 =	rddreg [dreg:$0x0];
	s2 =	stileid.u32  }
0x11d: {  	s1 =	rddreg [dreg:$0x1];
	p0 =	sne.s32 s2, $0x0  }
0x11e: {  	s3 =	rddreg [dreg:$0x2];
	[bflag:$0x3] =	sbarrier.arrive $0xFFFF;
	s2 =	simm.s32 @!p0 $0x1C02  }
0x11f: {  	[timem:s3], [sflag:s2] =	dma.local @!p0 [hbm:s0], s1  }
0x120: {  	s0 =	simm.s32 @!p0 $0x2  }
0x121: {  	_ =	swait.ge @!p0 [sflag:s0], s1  }
0x122: {  	s1 =	ssub.s32 @!p0 $0x0, s1;
	[sflag:s0] =	ssyncset.done @!p0 $0x0  }
0x123: {  	[sflag:s0] =	ssyncadd.s32 @!p0 s1  }
0x124: {  	[bflag:$0x3] =	sbarrier.arrive $0xFFFF  }
0x125: {  	_ =	shalt  }

</sc_bundles>
